<compile_context>
chip_gen: v7x
topology: tpu7x:2x2x1
jax: 0.10.2.dev20260603
libtpu: 0.0.44.dev20260713+nightly
codegen_flags: <defaults>
</compile_context>

<pallas_src>
import functools

import jax
import jax.numpy as jnp
from jax.experimental import pallas as pl
from jax.experimental.pallas import tpu as pltpu
from jax.experimental.pallas import tpu_sc as plsc

_EPS = 1e-5
_WIN = 128
_NWORK = 32
_BLK = 200
_BLK3 = 1000
_NCHUNK = 1


def _sc_gather(table, idx_pad, epad):
    a = table.shape[1]
    mesh = plsc.VectorSubcoreMesh(core_axis_name="core", subcore_axis_name="subcore")

    steps = epad // _WIN // _NWORK
    assert steps * _WIN * _NWORK == epad

    @functools.partial(
        pl.kernel,
        out_type=jax.ShapeDtypeStruct((epad, a), table.dtype),
        mesh=mesh,
        scratch_types=[pltpu.VMEM_SHARED(table.shape, table.dtype)],
    )
    def gather_kernel(x_hbm, i_hbm, o_hbm, tab_shared):
        @pl.when(jax.lax.axis_index("subcore") == 0)
        def _():
            pltpu.sync_copy(x_hbm, tab_shared)

        plsc.subcore_barrier()

        def body(i_vmem, o_vmem):
            pltpu.sync_copy(tab_shared.at[i_vmem.at[0]], o_vmem)

        pltpu.emit_pipeline(
            body,
            grid=(_NWORK, steps),
            in_specs=[pl.BlockSpec((1, _WIN), lambda i, j: (0, i * steps + j))],
            out_specs=[pl.BlockSpec((_WIN, a), lambda i, j: (i * steps + j, 0))],
            core_axis_name=("core", "subcore"),
            dimension_semantics=(pltpu.PARALLEL, pltpu.ARBITRARY),
        )(i_hbm, o_hbm)

    return gather_kernel(table, idx_pad)


def _p1_kernel(x, w, b2d):
    n, a = x.shape
    c = w.shape[1]
    blk = _BLK3

    def body(x_ref, w_ref, b_ref, o_ref):
        w1 = w_ref[0:a, :]
        o_ref[...] = (
            jnp.dot(x_ref[...], w1, preferred_element_type=jnp.float32)
            + b_ref[...]
        )

    return pl.pallas_call(
        body,
        grid=(n // blk,),
        in_specs=[
            pl.BlockSpec((blk, a), lambda i: (i, 0)),
            pl.BlockSpec(w.shape, lambda i: (0, 0)),
            pl.BlockSpec(b2d.shape, lambda i: (0, 0)),
        ],
        out_specs=pl.BlockSpec((blk, c), lambda i: (i, 0)),
        out_shape=jax.ShapeDtypeStruct((n, c), jnp.float32),
    )(x, w, b2d)


_LOG2E = 1.4426950408889634
_LN2 = 0.6931471805599453


def _sigmoid(x):
    return 0.5 * jnp.tanh(0.5 * x) + 0.5


def _softplus(x):
    e = jnp.exp2(-jnp.abs(x) * _LOG2E)
    return jnp.maximum(x, 0.0) + _LN2 * jnp.log2(1.0 + e)


def _edge_rows(g_ref, nb_ref, p1_ref, w_ref, a, m, blk):
    w2 = w_ref[a : 2 * a, :].astype(jnp.bfloat16)
    w3 = w_ref[2 * a :, :].astype(jnp.bfloat16)
    g = jnp.dot(
        g_ref[...].astype(jnp.bfloat16), w2, preferred_element_type=jnp.float32
    )
    g = g + jnp.dot(
        nb_ref[...].astype(jnp.bfloat16), w3, preferred_element_type=jnp.float32
    )
    g3 = g.reshape(blk, m, 2 * a) + p1_ref[...][:, None, :]
    return g3


def _stats_pass(g_rows, nbr2, p1, w, nc, m, a, boff):
    blk = _BLK
    eblk = blk * m
    grid = nc // blk

    def body(g_ref, nb_ref, p1_ref, w_ref, o_ref):
        g3 = _edge_rows(g_ref, nb_ref, p1_ref, w_ref, a, m, blk)

        @pl.when(pl.program_id(0) == 0)
        def _():
            o_ref[...] = jnp.zeros_like(o_ref)

        o_ref[0:1, :] += jnp.sum(g3, axis=(0, 1))[None, :]
        o_ref[1:2, :] += jnp.sum(g3 * g3, axis=(0, 1))[None, :]

    return pl.pallas_call(
        body,
        grid=(grid,),
        in_specs=[
            pl.BlockSpec((eblk, a), lambda i: (i, 0)),
            pl.BlockSpec((eblk, nbr2.shape[1]), lambda i, o=boff: (o + i, 0)),
            pl.BlockSpec((blk, 2 * a), lambda i, o=boff: (o + i, 0)),
            pl.BlockSpec(w.shape, lambda i: (0, 0)),
        ],
        out_specs=pl.BlockSpec((8, 2 * a), lambda i: (0, 0)),
        out_shape=jax.ShapeDtypeStruct((8, 2 * a), jnp.float32),
    )(g_rows, nbr2, p1, w)


def _gate_pass(g_rows, nbr2, p1, w, st1, gamma1, beta1, nc, m, a, boff, cnt):
    blk = _BLK
    eblk = blk * m
    grid = nc // blk

    def body(g_ref, nb_ref, p1_ref, w_ref, st_ref, ga_ref, be_ref, s_ref, o2_ref):
        st = jnp.sum(st_ref[...].reshape(_NCHUNK, 8, 2 * a), axis=0)
        mean = st[0:1, :] / cnt
        var = st[1:2, :] / cnt - mean * mean
        scale = ga_ref[...] * jax.lax.rsqrt(var + _EPS)
        shift = be_ref[...] - mean * scale

        g3 = _edge_rows(g_ref, nb_ref, p1_ref, w_ref, a, m, blk)
        y = g3 * scale[None, :, :] + shift[None, :, :]
        filt = _sigmoid(y[:, :, :a])
        core = _softplus(y[:, :, a:])
        s_blk = jnp.sum(filt * core, axis=1)
        s_ref[...] = s_blk

        @pl.when(pl.program_id(0) == 0)
        def _():
            o2_ref[...] = jnp.zeros_like(o2_ref)

        o2_ref[0:1, :] += jnp.sum(s_blk, axis=0)[None, :]
        o2_ref[1:2, :] += jnp.sum(s_blk * s_blk, axis=0)[None, :]

    return pl.pallas_call(
        body,
        grid=(grid,),
        in_specs=[
            pl.BlockSpec((eblk, a), lambda i: (i, 0)),
            pl.BlockSpec((eblk, nbr2.shape[1]), lambda i, o=boff: (o + i, 0)),
            pl.BlockSpec((blk, 2 * a), lambda i, o=boff: (o + i, 0)),
            pl.BlockSpec(w.shape, lambda i: (0, 0)),
            pl.BlockSpec(st1.shape, lambda i: (0, 0)),
            pl.BlockSpec((1, 2 * a), lambda i: (0, 0)),
            pl.BlockSpec((1, 2 * a), lambda i: (0, 0)),
        ],
        out_specs=[
            pl.BlockSpec((blk, a), lambda i: (i, 0)),
            pl.BlockSpec((8, a), lambda i: (0, 0)),
        ],
        out_shape=[
            jax.ShapeDtypeStruct((nc, a), jnp.float32),
            jax.ShapeDtypeStruct((8, a), jnp.float32),
        ],
    )(g_rows, nbr2, p1, w, st1, gamma1, beta1)


def _final_pass(x, s, st2, gamma2, beta2):
    n, a = x.shape
    blk = _BLK3
    cnt = float(n)

    def body(x_ref, s_ref, st_ref, ga_ref, be_ref, o_ref):
        st = jnp.sum(st_ref[...].reshape(_NCHUNK, 8, a), axis=0)
        mean = st[0:1, :] / cnt
        var = st[1:2, :] / cnt - mean * mean
        scale = ga_ref[...] * jax.lax.rsqrt(var + _EPS)
        shift = be_ref[...] - mean * scale
        o_ref[...] = _softplus(x_ref[...] + s_ref[...] * scale + shift)

    return pl.pallas_call(
        body,
        grid=(n // blk,),
        in_specs=[
            pl.BlockSpec((blk, a), lambda i: (i, 0)),
            pl.BlockSpec((blk, a), lambda i: (i, 0)),
            pl.BlockSpec(st2.shape, lambda i: (0, 0)),
            pl.BlockSpec((1, a), lambda i: (0, 0)),
            pl.BlockSpec((1, a), lambda i: (0, 0)),
        ],
        out_specs=pl.BlockSpec((blk, a), lambda i: (i, 0)),
        out_shape=jax.ShapeDtypeStruct((n, a), jnp.float32),
    )(x, s, st2, gamma2, beta2)


def kernel(atom_in_fea, nbr_fea, nbr_fea_idx, W, b, gamma1, beta1, gamma2, beta2):
    n, m = nbr_fea_idx.shape
    a = atom_in_fea.shape[1]
    e = n * m
    nc = n // _NCHUNK
    ec = nc * m
    boff_step = nc // _BLK

    grain = _WIN * _NWORK
    epad = ((ec + grain - 1) // grain) * grain
    flat_idx = nbr_fea_idx.reshape(1, e)
    pad = jnp.zeros((1, epad - ec), jnp.int32) if epad != ec else None

    nbr2 = nbr_fea.reshape(e, nbr_fea.shape[2])
    b2d = b.reshape(1, 2 * a)
    g1 = gamma1.reshape(1, 2 * a)
    b1 = beta1.reshape(1, 2 * a)
    g2 = gamma2.reshape(1, a)
    b2 = beta2.reshape(1, a)

    p1 = _p1_kernel(atom_in_fea, W, b2d)

    g_chunks = []
    for c in range(_NCHUNK):
        idx_c = flat_idx[:, c * ec : (c + 1) * ec]
        if pad is not None:
            idx_c = jnp.concatenate([idx_c, pad], axis=1)
        g_chunks.append(_sc_gather(atom_in_fea, idx_c, epad))

    st1_parts = [
        _stats_pass(g_chunks[c], nbr2, p1, W, nc, m, a, c * boff_step)
        for c in range(_NCHUNK)
    ]
    st1 = jnp.concatenate(st1_parts, axis=0)

    s_parts = []
    st2_parts = []
    for c in range(_NCHUNK):
        s_c, st2_c = _gate_pass(
            g_chunks[c], nbr2, p1, W, st1, g1, b1, nc, m, a, c * boff_step,
            float(e),
        )
        s_parts.append(s_c)
        st2_parts.append(st2_c)
    s = jnp.concatenate(s_parts, axis=0)
    st2 = jnp.concatenate(st2_parts, axis=0)

    return _final_pass(atom_in_fea, s, st2, g2, b2)

# --- scband reference (transcript-rebuilt; emitter-appended) ---
"""Pipeline reference for scband-conv-layer-67293547594211 (READ-ONLY COPY).

The authoritative reference and input builder live on the scoring server;
editing this copy changes nothing except your own understanding.
"""

import jax, jax.numpy as jnp
import numpy as np

N = 10000
M = 32
A = 128  # atom_fea_len
B = 16   # nbr_fea_len


def setup_inputs(seed: int = 0) -> dict:
    key = jax.random.key(seed)
    k1, k2, k3, k4 = jax.random.split(key, 4)
    atom_in_fea = jax.random.normal(k1, (N, A), dtype=jnp.float32)
    nbr_fea = jax.random.normal(k2, (N, M, B), dtype=jnp.float32)
    nbr_fea_idx = jax.random.randint(k3, (N, M), 0, N, dtype=jnp.int32)
    # Learned parameters (fc_full: Linear(2A+B -> 2A); bn1 over 2A; bn2 over A)
    W = 0.02 * jax.random.normal(k4, (2 * A + B, 2 * A), dtype=jnp.float32)
    b = jnp.zeros((2 * A,), dtype=jnp.float32)
    gamma1 = jnp.ones((2 * A,), dtype=jnp.float32)
    beta1 = jnp.zeros((2 * A,), dtype=jnp.float32)
    gamma2 = jnp.ones((A,), dtype=jnp.float32)
    beta2 = jnp.zeros((A,), dtype=jnp.float32)
    return {
        "atom_in_fea": atom_in_fea,
        "nbr_fea": nbr_fea,
        "nbr_fea_idx": nbr_fea_idx,
        "W": W,
        "b": b,
        "gamma1": gamma1,
        "beta1": beta1,
        "gamma2": gamma2,
        "beta2": beta2,
    }


def _batchnorm(x, gamma, beta, eps=1e-5):
    # torch BatchNorm1d in training mode: batch mean, biased batch variance
    mean = jnp.mean(x, axis=0)
    var = jnp.mean((x - mean) ** 2, axis=0)
    return gamma * (x - mean) / jnp.sqrt(var + eps) + beta


def reference(atom_in_fea, nbr_fea, nbr_fea_idx, W, b, gamma1, beta1, gamma2, beta2):
    n, m = nbr_fea_idx.shape
    a = atom_in_fea.shape[1]
    flat_idx = nbr_fea_idx.reshape(-1)
    # gather neighbor atom features
    atom_nbr_fea = jnp.take(atom_in_fea, flat_idx, axis=0).reshape(n, m, a)
    atom_central = jnp.broadcast_to(atom_in_fea[:, None, :], (n, m, a))
    total_nbr_fea = jnp.concatenate([atom_central, atom_nbr_fea, nbr_fea], axis=2)
    total_gated_fea = total_nbr_fea @ W + b
    total_gated_fea = _batchnorm(total_gated_fea.reshape(-1, 2 * a), gamma1, beta1).reshape(n, m, 2 * a)
    nbr_filter = total_gated_fea[:, :, :a]
    nbr_core = total_gated_fea[:, :, a:]
    nbr_filter = jax.nn.sigmoid(nbr_filter)
    nbr_core = jax.nn.softplus(nbr_core)
    nbr_sumed = jnp.sum(nbr_filter * nbr_core, axis=1)
    nbr_sumed = _batchnorm(nbr_sumed, gamma2, beta2)
    out = jax.nn.softplus(atom_in_fea + nbr_sumed)
    return out

if __name__ == "__main__":
    import jax
    _d = setup_inputs()
    print(jax.jit(kernel)(*tuple(_d.values())))

</pallas_src>

<mosaic_0001>
#map = affine_map<(d0, d1) -> (0, 0)>
module attributes {stable_mosaic.version = 14 : i64} {
  func.func @gather_kernel(%arg0: i32, %arg1: i32, %arg2: memref<10000x128xf32, #tpu.memory_space<hbm>>, %arg3: memref<1x323584xi32, #tpu.memory_space<hbm>>, %arg4: memref<323584x128xf32, #tpu.memory_space<hbm>>, %arg5: memref<10000x128xf32, #tpu.memory_space<vmem_shared>>) attributes {dimension_semantics = [#tpu.dimension_semantics<core_parallel>, #tpu.dimension_semantics<subcore_parallel>], iteration_bounds = array<i64: 2, 16>, scalar_prefetch = 0 : i64, scratch_operands = 1 : i64, tpu.core_type = #tpu.core_type<sc_vector_subcore>, window_params = [{transform_indices = #map}, {transform_indices = #map}, {transform_indices = #map}]} {
    %eq3A = arith.constant 0 : i32
    %eq3A_0 = arith.cmpi eq, %arg1, %eq3A : i32
    %convert_element_type3A = arith.extui %eq3A_0 : i1 to i32
    %cond3A = arith.constant 0 : i32
    %cond3A_1 = arith.cmpi ne, %convert_element_type3A, %cond3A : i32
    scf.if %cond3A_1 {
      "tpu.region"() ({
        %run_scoped3A = tpu.sem_alloc : memref<!tpu.dma_semaphore, #tpu.memory_space<semaphore_mem>>
        tpu.enqueue_dma source(%arg2 : memref<10000x128xf32, #tpu.memory_space<hbm>>) target(%arg5 : memref<10000x128xf32, #tpu.memory_space<vmem_shared>>) target_semaphore(%run_scoped3A : memref<!tpu.dma_semaphore, #tpu.memory_space<semaphore_mem>>)
        tpu.wait_dma2 semaphore(%run_scoped3A : memref<!tpu.dma_semaphore, #tpu.memory_space<semaphore_mem>>) src(%arg2 : memref<10000x128xf32, #tpu.memory_space<hbm>>) dst(%arg5 : memref<10000x128xf32, #tpu.memory_space<vmem_shared>>)
        tpu.yield
      }) : () -> ()
    } else {
    }
    %barrier3A = arith.constant 0 : index
    tpu.barrier barrier_id(%barrier3A)
    %mul3A = arith.constant 1 : i32
    %mul3A_2 = arith.muli %arg1, %mul3A : i32
    %add3A = arith.constant 0 : i32
    %add3A_3 = arith.addi %add3A, %mul3A_2 : i32
    %mul3A_4 = arith.constant 16 : i32
    %mul3A_5 = arith.muli %arg0, %mul3A_4 : i32
    %add3A_6 = arith.addi %add3A_3, %mul3A_5 : i32
    %mul3A_7 = arith.constant 1 : i32
    %mul3A_8 = arith.muli %add3A_6, %mul3A_7 : i32
    "tpu.region"() ({
      %run_scoped3A = memref.alloca() : memref<2x1x128xi32, #tpu.memory_space<vmem>>
      %run_scoped3A_9 = tpu.sem_alloc : memref<2x!tpu.dma_semaphore, #tpu.memory_space<semaphore_mem>>
      %run_scoped3A_10 = memref.alloca() : memref<2x128x128xf32, #tpu.memory_space<vmem>>
      %run_scoped3A_11 = tpu.sem_alloc : memref<2x!tpu.dma_semaphore, #tpu.memory_space<semaphore_mem>>
      %add3A_12 = arith.constant 0 : i32
      %add3A_13 = arith.addi %add3A_12, %mul3A_8 : i32
      %select_n3A = arith.constant true
      %select_n3A_14 = arith.constant 0 : i32
      %select_n3A_15 = arith.constant -1 : i32
      %select_n3A_16 = arith.select %select_n3A, %select_n3A_15, %select_n3A_14 : i32
      %eq3A_17 = arith.constant -1 : i32
      %eq3A_18 = arith.cmpi eq, %select_n3A_16, %eq3A_17 : i32
      %select_n3A_19 = arith.constant 78 : i32
      %select_n3A_20 = arith.select %eq3A_18, %select_n3A_19, %select_n3A_16 : i32
      %select_n3A_21 = arith.constant 0 : i32
      %select_n3A_22 = arith.constant -1 : i32
      %select_n3A_23 = arith.select %eq3A_18, %select_n3A_22, %select_n3A_21 : i32
      %eq3A_24 = arith.constant -1 : i32
      %eq3A_25 = arith.cmpi eq, %select_n3A_23, %eq3A_24 : i32
      %select_n3A_26 = arith.constant 0 : i32
      %select_n3A_27 = arith.select %eq3A_25, %select_n3A_26, %select_n3A_23 : i32
      %add3A_28 = arith.constant 0 : i32
      %add3A_29 = arith.addi %add3A_28, %mul3A_8 : i32
      %add3A_30 = arith.constant 0 : i32
      %add3A_31 = arith.addi %select_n3A_20, %add3A_30 : i32
      %select_n3A_32 = arith.constant true
      %select_n3A_33 = arith.constant 0 : i32
      %select_n3A_34 = arith.constant 1 : i32
      %select_n3A_35 = arith.select %select_n3A_32, %select_n3A_34, %select_n3A_33 : i32
      %eq3A_36 = arith.constant 79 : i32
      %eq3A_37 = arith.cmpi eq, %select_n3A_35, %eq3A_36 : i32
      %select_n3A_38 = arith.constant 0 : i32
      %select_n3A_39 = arith.select %eq3A_37, %select_n3A_38, %select_n3A_35 : i32
      %select_n3A_40 = arith.constant 0 : i32
      %select_n3A_41 = arith.constant 1 : i32
      %select_n3A_42 = arith.select %eq3A_37, %select_n3A_41, %select_n3A_40 : i32
      %eq3A_43 = arith.constant 1 : i32
      %eq3A_44 = arith.cmpi eq, %select_n3A_42, %eq3A_43 : i32
      %select_n3A_45 = arith.constant 0 : i32
      %select_n3A_46 = arith.select %eq3A_44, %select_n3A_45, %select_n3A_42 : i32
      %add3A_47 = arith.constant 0 : i32
      %add3A_48 = arith.addi %add3A_47, %mul3A_8 : i32
      %add3A_49 = arith.constant 0 : i32
      %add3A_50 = arith.addi %select_n3A_39, %add3A_49 : i32
      %add3A_51 = arith.constant 1 : i32
      %add3A_52 = arith.addi %select_n3A_39, %add3A_51 : i32
      %select_n3A_53 = arith.constant true
      %select_n3A_54 = arith.select %select_n3A_53, %add3A_52, %select_n3A_39 : i32
      %eq3A_55 = arith.constant 79 : i32
      %eq3A_56 = arith.cmpi eq, %select_n3A_54, %eq3A_55 : i32
      %select_n3A_57 = arith.constant 0 : i32
      %select_n3A_58 = arith.select %eq3A_56, %select_n3A_57, %select_n3A_54 : i32
      %select_n3A_59 = arith.constant 0 : i32
      %select_n3A_60 = arith.constant 1 : i32
      %select_n3A_61 = arith.select %eq3A_56, %select_n3A_60, %select_n3A_59 : i32
      %eq3A_62 = arith.constant 1 : i32
      %eq3A_63 = arith.cmpi eq, %select_n3A_61, %eq3A_62 : i32
      %select_n3A_64 = arith.constant 0 : i32
      %select_n3A_65 = arith.select %eq3A_63, %select_n3A_64, %select_n3A_61 : i32
      %add3A_66 = arith.constant 0 : i32
      %add3A_67 = arith.addi %add3A_66, %mul3A_8 : i32
      %add3A_68 = arith.constant 0 : i32
      %add3A_69 = arith.addi %select_n3A_58, %add3A_68 : i32
      "tpu.trace_start"() <{level = 10 : i32, message = "ep_initialize_0"}> : () -> ()
      %rem3A = arith.constant 0 : i32
      %rem3A_70 = arith.constant 2 : i32
      %rem3A_71 = arith.remui %rem3A, %rem3A_70 : i32
      %mul3A_72 = arith.constant 79 : i32
      %mul3A_73 = arith.muli %add3A_13, %mul3A_72 : i32
      %add3A_74 = arith.constant 0 : i32
      %add3A_75 = arith.addi %mul3A_73, %add3A_74 : i32
      %mul3A_76 = arith.constant 128 : i32
      %mul3A_77 = arith.muli %mul3A_76, %add3A_75 : i32
      %dma_start3A = arith.constant 0 : i32
      %dma_start3A_78 = arith.constant 0 : i32
      %dma_start3A_79 = tpu.memref_slice %run_scoped3A[%rem3A_71, %dma_start3A, %dma_start3A_78] : memref<2x1x128xi32, #tpu.memory_space<vmem>> -> memref<1x1x128xi32, #tpu.memory_space<vmem>>
      %dma_start3A_80 = tpu.memref_squeeze %dma_start3A_79 : memref<1x1x128xi32, #tpu.memory_space<vmem>> -> memref<1x128xi32, #tpu.memory_space<vmem>>
      %dma_start3A_81 = arith.constant 0 : i32
      %dma_start3A_82 = tpu.memref_slice %arg3[%dma_start3A_81, %mul3A_77] : memref<1x323584xi32, #tpu.memory_space<hbm>> -> memref<1x128xi32, #tpu.memory_space<hbm>>
      %dma_start3A_83 = tpu.memref_slice %run_scoped3A_9[%rem3A_71] : memref<2x!tpu.dma_semaphore, #tpu.memory_space<semaphore_mem>> -> memref<1x!tpu.dma_semaphore, #tpu.memory_space<semaphore_mem>>
      %dma_start3A_84 = tpu.memref_squeeze %dma_start3A_83 : memref<1x!tpu.dma_semaphore, #tpu.memory_space<semaphore_mem>> -> memref<!tpu.dma_semaphore, #tpu.memory_space<semaphore_mem>>
      %dma_start3A_85 = arith.constant 0 : i32
      %dma_start3A_86 = arith.constant 0 : i32
      %dma_start3A_87 = tpu.memref_slice %run_scoped3A[%rem3A_71, %dma_start3A_85, %dma_start3A_86] : memref<2x1x128xi32, #tpu.memory_space<vmem>> -> memref<1x1x128xi32, #tpu.memory_space<vmem>>
      %dma_start3A_88 = tpu.memref_squeeze %dma_start3A_87 : memref<1x1x128xi32, #tpu.memory_space<vmem>> -> memref<1x128xi32, #tpu.memory_space<vmem>>
      %dma_start3A_89 = arith.constant 0 : i32
      %dma_start3A_90 = tpu.memref_slice %arg3[%dma_start3A_89, %mul3A_77] : memref<1x323584xi32, #tpu.memory_space<hbm>> -> memref<1x128xi32, #tpu.memory_space<hbm>>
      tpu.enqueue_dma source(%dma_start3A_90 : memref<1x128xi32, #tpu.memory_space<hbm>>) target(%dma_start3A_88 : memref<1x128xi32, #tpu.memory_space<vmem>>) target_semaphore(%dma_start3A_84 : memref<!tpu.dma_semaphore, #tpu.memory_space<semaphore_mem>>)
      %add3A_91 = arith.constant 0 : i32
      %add3A_92 = arith.constant 1 : i32
      %add3A_93 = arith.addi %add3A_91, %add3A_92 : i32
      %select_n3A_94 = arith.constant true
      %select_n3A_95 = arith.constant 0 : i32
      %select_n3A_96 = arith.select %select_n3A_94, %add3A_93, %select_n3A_95 : i32
      "tpu.trace_stop"() : () -> ()
      %scan3A = arith.constant 0 : i32
      %scan3A_97 = arith.constant 0 : i32
      %scan3A_98 = arith.constant 0 : i32
      %scan3A_99 = arith.constant 0 : i32
      %scan3A_100 = arith.constant 0 : i32
      %scan3A_101 = arith.constant 0 : i32
      %scan3A_102 = arith.constant 79 : i32
      %scan3A_103 = arith.addi %scan3A_101, %scan3A_102 : i32
      %scan3A_104 = arith.constant 1 : i32
      %scan3A_105:6 = scf.for %scan3A_202 = %scan3A_101 to %scan3A_103 step %scan3A_104 iter_args(%scan3A_203 = %select_n3A_96, %scan3A_204 = %scan3A, %scan3A_205 = %scan3A_97, %scan3A_206 = %scan3A_98, %scan3A_207 = %scan3A_99, %scan3A_208 = %scan3A_100) -> (i32, i32, i32, i32, i32, i32)  : i32 {
        %eq3A_209 = arith.constant 0 : i32
        %eq3A_210 = arith.cmpi eq, %scan3A_202, %eq3A_209 : i32
        %eq3A_211 = arith.constant 78 : i32
        %eq3A_212 = arith.cmpi eq, %scan3A_202, %eq3A_211 : i32
        %add3A_213 = arith.constant 0 : i32
        %add3A_214 = arith.addi %add3A_213, %mul3A_8 : i32
        %add3A_215 = arith.constant 0 : i32
        %add3A_216 = arith.addi %scan3A_208, %add3A_215 : i32
        %sub3A_217 = arith.constant 1 : i32
        %sub3A_218 = arith.subi %scan3A_208, %sub3A_217 : i32
        %select_n3A_219 = arith.constant true
        %select_n3A_220 = arith.select %select_n3A_219, %sub3A_218, %scan3A_208 : i32
        %eq3A_221 = arith.constant -1 : i32
        %eq3A_222 = arith.cmpi eq, %select_n3A_220, %eq3A_221 : i32
        %select_n3A_223 = arith.constant 78 : i32
        %select_n3A_224 = arith.select %eq3A_222, %select_n3A_223, %select_n3A_220 : i32
        %select_n3A_225 = arith.constant 0 : i32
        %select_n3A_226 = arith.constant -1 : i32
        %select_n3A_227 = arith.select %eq3A_222, %select_n3A_226, %select_n3A_225 : i32
        %eq3A_228 = arith.constant -1 : i32
        %eq3A_229 = arith.cmpi eq, %select_n3A_227, %eq3A_228 : i32
        %select_n3A_230 = arith.constant 0 : i32
        %select_n3A_231 = arith.select %eq3A_229, %select_n3A_230, %select_n3A_227 : i32
        %add3A_232 = arith.constant 0 : i32
        %add3A_233 = arith.addi %add3A_232, %mul3A_8 : i32
        %add3A_234 = arith.constant 0 : i32
        %add3A_235 = arith.addi %select_n3A_224, %add3A_234 : i32
        %add3A_236 = arith.constant 1 : i32
        %add3A_237 = arith.addi %scan3A_208, %add3A_236 : i32
        %select_n3A_238 = arith.constant true
        %select_n3A_239 = arith.select %select_n3A_238, %add3A_237, %scan3A_208 : i32
        %eq3A_240 = arith.constant 79 : i32
        %eq3A_241 = arith.cmpi eq, %select_n3A_239, %eq3A_240 : i32
        %select_n3A_242 = arith.constant 0 : i32
        %select_n3A_243 = arith.select %eq3A_241, %select_n3A_242, %select_n3A_239 : i32
        %select_n3A_244 = arith.constant 0 : i32
        %select_n3A_245 = arith.constant 1 : i32
        %select_n3A_246 = arith.select %eq3A_241, %select_n3A_245, %select_n3A_244 : i32
        %eq3A_247 = arith.constant 1 : i32
        %eq3A_248 = arith.cmpi eq, %select_n3A_246, %eq3A_247 : i32
        %select_n3A_249 = arith.constant 0 : i32
        %select_n3A_250 = arith.select %eq3A_248, %select_n3A_249, %select_n3A_246 : i32
        %add3A_251 = arith.constant 0 : i32
        %add3A_252 = arith.addi %add3A_251, %mul3A_8 : i32
        %add3A_253 = arith.constant 0 : i32
        %add3A_254 = arith.addi %select_n3A_243, %add3A_253 : i32
        %add3A_255 = arith.constant 1 : i32
        %add3A_256 = arith.addi %select_n3A_243, %add3A_255 : i32
        %select_n3A_257 = arith.constant true
        %select_n3A_258 = arith.select %select_n3A_257, %add3A_256, %select_n3A_243 : i32
        %eq3A_259 = arith.constant 79 : i32
        %eq3A_260 = arith.cmpi eq, %select_n3A_258, %eq3A_259 : i32
        %select_n3A_261 = arith.constant 0 : i32
        %select_n3A_262 = arith.select %eq3A_260, %select_n3A_261, %select_n3A_258 : i32
        %select_n3A_263 = arith.constant 0 : i32
        %select_n3A_264 = arith.constant 1 : i32
        %select_n3A_265 = arith.select %eq3A_260, %select_n3A_264, %select_n3A_263 : i32
        %eq3A_266 = arith.constant 1 : i32
        %eq3A_267 = arith.cmpi eq, %select_n3A_265, %eq3A_266 : i32
        %select_n3A_268 = arith.constant 0 : i32
        %select_n3A_269 = arith.select %eq3A_267, %select_n3A_268, %select_n3A_265 : i32
        %add3A_270 = arith.constant 0 : i32
        %add3A_271 = arith.addi %add3A_270, %mul3A_8 : i32
        %add3A_272 = arith.constant 0 : i32
        %add3A_273 = arith.addi %select_n3A_262, %add3A_272 : i32
        %mul3A_274 = arith.constant 79 : i32
        %mul3A_275 = arith.muli %add3A_214, %mul3A_274 : i32
        %add3A_276 = arith.addi %mul3A_275, %add3A_216 : i32
        %mul3A_277 = arith.constant 79 : i32
        %mul3A_278 = arith.muli %add3A_252, %mul3A_277 : i32
        %add3A_279 = arith.addi %mul3A_278, %add3A_254 : i32
        %ne3A = arith.cmpi ne, %add3A_276, %add3A_279 : i32
        %or3A = arith.constant false
        %or3A_280 = arith.ori %or3A, %ne3A : i1
        %ge3A = arith.constant 78 : i32
        %ge3A_281 = arith.cmpi sge, %scan3A_202, %ge3A : i32
        %not3A = arith.constant true
        %not3A_282 = arith.xori %ge3A_281, %not3A : i1
        %and3A = arith.andi %or3A_280, %not3A_282 : i1
        %convert_element_type3A_283 = arith.extui %and3A : i1 to i32
        %cond3A_284 = arith.constant 0 : i32
        %cond3A_285 = arith.cmpi ne, %convert_element_type3A_283, %cond3A_284 : i32
        scf.if %cond3A_285 {
          "tpu.trace_start"() <{level = 10 : i32, message = "ep_copy_in"}> : () -> ()
          %rem3A_443 = arith.constant 2 : i32
          %rem3A_444 = arith.remui %scan3A_203, %rem3A_443 : i32
          %mul3A_445 = arith.constant 79 : i32
          %mul3A_446 = arith.muli %add3A_252, %mul3A_445 : i32
          %add3A_447 = arith.addi %mul3A_446, %add3A_254 : i32
          %mul3A_448 = arith.constant 128 : i32
          %mul3A_449 = arith.muli %mul3A_448, %add3A_447 : i32
          %dma_start3A_450 = arith.constant 0 : i32
          %dma_start3A_451 = arith.constant 0 : i32
          %dma_start3A_452 = tpu.memref_slice %run_scoped3A[%rem3A_444, %dma_start3A_450, %dma_start3A_451] : memref<2x1x128xi32, #tpu.memory_space<vmem>> -> memref<1x1x128xi32, #tpu.memory_space<vmem>>
          %dma_start3A_453 = tpu.memref_squeeze %dma_start3A_452 : memref<1x1x128xi32, #tpu.memory_space<vmem>> -> memref<1x128xi32, #tpu.memory_space<vmem>>
          %dma_start3A_454 = arith.constant 0 : i32
          %dma_start3A_455 = tpu.memref_slice %arg3[%dma_start3A_454, %mul3A_449] : memref<1x323584xi32, #tpu.memory_space<hbm>> -> memref<1x128xi32, #tpu.memory_space<hbm>>
          %dma_start3A_456 = tpu.memref_slice %run_scoped3A_9[%rem3A_444] : memref<2x!tpu.dma_semaphore, #tpu.memory_space<semaphore_mem>> -> memref<1x!tpu.dma_semaphore, #tpu.memory_space<semaphore_mem>>
          %dma_start3A_457 = tpu.memref_squeeze %dma_start3A_456 : memref<1x!tpu.dma_semaphore, #tpu.memory_space<semaphore_mem>> -> memref<!tpu.dma_semaphore, #tpu.memory_space<semaphore_mem>>
          %dma_start3A_458 = arith.constant 0 : i32
          %dma_start3A_459 = arith.constant 0 : i32
          %dma_start3A_460 = tpu.memref_slice %run_scoped3A[%rem3A_444, %dma_start3A_458, %dma_start3A_459] : memref<2x1x128xi32, #tpu.memory_space<vmem>> -> memref<1x1x128xi32, #tpu.memory_space<vmem>>
          %dma_start3A_461 = tpu.memref_squeeze %dma_start3A_460 : memref<1x1x128xi32, #tpu.memory_space<vmem>> -> memref<1x128xi32, #tpu.memory_space<vmem>>
          %dma_start3A_462 = arith.constant 0 : i32
          %dma_start3A_463 = tpu.memref_slice %arg3[%dma_start3A_462, %mul3A_449] : memref<1x323584xi32, #tpu.memory_space<hbm>> -> memref<1x128xi32, #tpu.memory_space<hbm>>
          tpu.enqueue_dma source(%dma_start3A_463 : memref<1x128xi32, #tpu.memory_space<hbm>>) target(%dma_start3A_461 : memref<1x128xi32, #tpu.memory_space<vmem>>) target_semaphore(%dma_start3A_457 : memref<!tpu.dma_semaphore, #tpu.memory_space<semaphore_mem>>)
          "tpu.trace_stop"() : () -> ()
        } else {
        }
        %and3A_286 = arith.constant true
        %and3A_287 = arith.andi %and3A, %and3A_286 : i1
        %add3A_288 = arith.constant 1 : i32
        %add3A_289 = arith.addi %scan3A_203, %add3A_288 : i32
        %select_n3A_290 = arith.select %and3A_287, %add3A_289, %scan3A_203 : i32
        %mul3A_291 = arith.constant 79 : i32
        %mul3A_292 = arith.muli %add3A_214, %mul3A_291 : i32
        %add3A_293 = arith.addi %mul3A_292, %add3A_216 : i32
        %mul3A_294 = arith.constant 79 : i32
        %mul3A_295 = arith.muli %add3A_252, %mul3A_294 : i32
        %add3A_296 = arith.addi %mul3A_295, %add3A_254 : i32
        %ne3A_297 = arith.cmpi ne, %add3A_293, %add3A_296 : i32
        %or3A_298 = arith.constant false
        %or3A_299 = arith.ori %or3A_298, %ne3A_297 : i1
        %or3A_300 = arith.constant false
        %or3A_301 = arith.ori %or3A_299, %or3A_300 : i1
        %ge3A_302 = arith.constant 78 : i32
        %ge3A_303 = arith.cmpi sge, %scan3A_202, %ge3A_302 : i32
        %not3A_304 = arith.constant true
        %not3A_305 = arith.xori %ge3A_303, %not3A_304 : i1
        %and3A_306 = arith.andi %or3A_301, %not3A_305 : i1
        %mul3A_307 = arith.constant 79 : i32
        %mul3A_308 = arith.muli %add3A_214, %mul3A_307 : i32
        %add3A_309 = arith.addi %mul3A_308, %add3A_216 : i32
        %mul3A_310 = arith.constant 79 : i32
        %mul3A_311 = arith.muli %add3A_233, %mul3A_310 : i32
        %add3A_312 = arith.addi %mul3A_311, %add3A_235 : i32
        %ne3A_313 = arith.cmpi ne, %add3A_309, %add3A_312 : i32
        %or3A_314 = arith.constant false
        %or3A_315 = arith.ori %or3A_314, %ne3A_313 : i1
        %or3A_316 = arith.ori %or3A_315, %eq3A_210 : i1
        %convert_element_type3A_317 = arith.extui %or3A_316 : i1 to i32
        %cond3A_318 = arith.constant 0 : i32
        %cond3A_319 = arith.cmpi ne, %convert_element_type3A_317, %cond3A_318 : i32
        scf.if %cond3A_319 {
          "tpu.trace_start"() <{level = 10 : i32, message = "ep_wait_in"}> : () -> ()
          %mul3A_443 = arith.constant 79 : i32
          %mul3A_444 = arith.muli %add3A_214, %mul3A_443 : i32
          %add3A_445 = arith.addi %mul3A_444, %add3A_216 : i32
          %mul3A_446 = arith.constant 128 : i32
          %mul3A_447 = arith.muli %mul3A_446, %add3A_445 : i32
          %rem3A_448 = arith.constant 2 : i32
          %rem3A_449 = arith.remui %scan3A_204, %rem3A_448 : i32
          %dma_wait3A_450 = arith.constant 0 : i32
          %dma_wait3A_451 = arith.constant 0 : i32
          %dma_wait3A_452 = tpu.memref_slice %run_scoped3A[%rem3A_449, %dma_wait3A_450, %dma_wait3A_451] : memref<2x1x128xi32, #tpu.memory_space<vmem>> -> memref<1x1x128xi32, #tpu.memory_space<vmem>>
          %dma_wait3A_453 = tpu.memref_squeeze %dma_wait3A_452 : memref<1x1x128xi32, #tpu.memory_space<vmem>> -> memref<1x128xi32, #tpu.memory_space<vmem>>
          %dma_wait3A_454 = arith.constant 0 : i32
          %dma_wait3A_455 = tpu.memref_slice %arg3[%dma_wait3A_454, %mul3A_447] : memref<1x323584xi32, #tpu.memory_space<hbm>> -> memref<1x128xi32, #tpu.memory_space<hbm>>
          %dma_wait3A_456 = tpu.memref_slice %run_scoped3A_9[%rem3A_449] : memref<2x!tpu.dma_semaphore, #tpu.memory_space<semaphore_mem>> -> memref<1x!tpu.dma_semaphore, #tpu.memory_space<semaphore_mem>>
          %dma_wait3A_457 = tpu.memref_squeeze %dma_wait3A_456 : memref<1x!tpu.dma_semaphore, #tpu.memory_space<semaphore_mem>> -> memref<!tpu.dma_semaphore, #tpu.memory_space<semaphore_mem>>
          %dma_wait3A_458 = arith.constant 0 : i32
          %dma_wait3A_459 = arith.constant 0 : i32
          %dma_wait3A_460 = tpu.memref_slice %run_scoped3A[%rem3A_449, %dma_wait3A_458, %dma_wait3A_459] : memref<2x1x128xi32, #tpu.memory_space<vmem>> -> memref<1x1x128xi32, #tpu.memory_space<vmem>>
          %dma_wait3A_461 = tpu.memref_squeeze %dma_wait3A_460 : memref<1x1x128xi32, #tpu.memory_space<vmem>> -> memref<1x128xi32, #tpu.memory_space<vmem>>
          %dma_wait3A_462 = arith.constant 0 : i32
          %dma_wait3A_463 = tpu.memref_slice %arg3[%dma_wait3A_462, %mul3A_447] : memref<1x323584xi32, #tpu.memory_space<hbm>> -> memref<1x128xi32, #tpu.memory_space<hbm>>
          tpu.wait_dma2 semaphore(%dma_wait3A_457 : memref<!tpu.dma_semaphore, #tpu.memory_space<semaphore_mem>>) src(%dma_wait3A_463 : memref<1x128xi32, #tpu.memory_space<hbm>>) dst(%dma_wait3A_461 : memref<1x128xi32, #tpu.memory_space<vmem>>)
          "tpu.trace_stop"() : () -> ()
        } else {
        }
        %mul3A_320 = arith.constant 79 : i32
        %mul3A_321 = arith.muli %add3A_214, %mul3A_320 : i32
        %add3A_322 = arith.addi %mul3A_321, %add3A_216 : i32
        %mul3A_323 = arith.constant 79 : i32
        %mul3A_324 = arith.muli %add3A_233, %mul3A_323 : i32
        %add3A_325 = arith.addi %mul3A_324, %add3A_235 : i32
        %ne3A_326 = arith.cmpi ne, %add3A_322, %add3A_325 : i32
        %or3A_327 = arith.constant false
        %or3A_328 = arith.ori %or3A_327, %ne3A_326 : i1
        %or3A_329 = arith.constant false
        %or3A_330 = arith.ori %or3A_328, %or3A_329 : i1
        %or3A_331 = arith.ori %or3A_330, %eq3A_210 : i1
        %convert_element_type3A_332 = arith.extui %or3A_331 : i1 to i32
        %cond3A_333 = arith.constant 0 : i32
        %cond3A_334 = arith.cmpi ne, %convert_element_type3A_332, %cond3A_333 : i32
        scf.if %cond3A_334 {
        } else {
        }
        %rem3A_335 = arith.constant 2 : i32
        %rem3A_336 = arith.remui %scan3A_204, %rem3A_335 : i32
        %rem3A_337 = arith.constant 2 : i32
        %rem3A_338 = arith.remui %scan3A_205, %rem3A_337 : i32
        %run_scoped3A_339 = arith.constant 0 : i32
        "tpu.trace_start"() <{level = 10 : i32, message = "ep_run_kernel"}> : () -> ()
        "tpu.region"() ({
          %run_scoped3A_443 = tpu.sem_alloc : memref<!tpu.dma_semaphore, #tpu.memory_space<semaphore_mem>>
          %dma_start3A_444 = arith.constant 0 : i32
          %dma_start3A_445 = arith.constant 0 : i32
          %dma_start3A_446 = tpu.memref_slice %run_scoped3A_10[%rem3A_338, %dma_start3A_444, %dma_start3A_445] : memref<2x128x128xf32, #tpu.memory_space<vmem>> -> memref<1x128x128xf32, #tpu.memory_space<vmem>>
          %dma_start3A_447 = tpu.memref_squeeze %dma_start3A_446 : memref<1x128x128xf32, #tpu.memory_space<vmem>> -> memref<128x128xf32, #tpu.memory_space<vmem>>
          %dma_start3A_448 = arith.constant 0 : i32
          %dma_start3A_449 = arith.constant 0 : i32
          %dma_start3A_450 = tpu.memref_slice %run_scoped3A[%rem3A_336, %dma_start3A_448, %dma_start3A_449] : memref<2x1x128xi32, #tpu.memory_space<vmem>> -> memref<1x1x128xi32, #tpu.memory_space<vmem>>
          %dma_start3A_451 = tpu.memref_squeeze %dma_start3A_450 : memref<1x1x128xi32, #tpu.memory_space<vmem>> -> memref<1x128xi32, #tpu.memory_space<vmem>>
          %dma_start3A_452 = arith.constant 0 : i32
          %dma_start3A_453 = tpu.memref_slice %dma_start3A_451[%run_scoped3A_339, %dma_start3A_452] : memref<1x128xi32, #tpu.memory_space<vmem>> -> memref<1x128xi32, #tpu.memory_space<vmem>>
          %dma_start3A_454 = tpu.memref_squeeze %dma_start3A_453 : memref<1x128xi32, #tpu.memory_space<vmem>> -> memref<128xi32, #tpu.memory_space<vmem>>
          %dma_start3A_455 = arith.constant 0 : i32
          %dma_start3A_456 = arith.constant 0 : i32
          %dma_start3A_457 = tpu.memref_slice %arg5[%dma_start3A_455, %dma_start3A_456] : memref<10000x128xf32, #tpu.memory_space<vmem_shared>> -> memref<10000x128xf32, #tpu.memory_space<vmem_shared>>
          tpu.enqueue_indirect_dma source(%dma_start3A_457 : memref<10000x128xf32, #tpu.memory_space<vmem_shared>>) target(%dma_start3A_447 : memref<128x128xf32, #tpu.memory_space<vmem>>) offsets(%dma_start3A_454 : memref<128xi32, #tpu.memory_space<vmem>>) semaphore(%run_scoped3A_443 : memref<!tpu.dma_semaphore, #tpu.memory_space<semaphore_mem>>)
          %dma_wait3A_458 = arith.constant 0 : i32
          %dma_wait3A_459 = arith.constant 0 : i32
          %dma_wait3A_460 = tpu.memref_slice %run_scoped3A_10[%rem3A_338, %dma_wait3A_458, %dma_wait3A_459] : memref<2x128x128xf32, #tpu.memory_space<vmem>> -> memref<1x128x128xf32, #tpu.memory_space<vmem>>
          %dma_wait3A_461 = tpu.memref_squeeze %dma_wait3A_460 : memref<1x128x128xf32, #tpu.memory_space<vmem>> -> memref<128x128xf32, #tpu.memory_space<vmem>>
          %dma_wait3A_462 = arith.constant 0 : i32
          %dma_wait3A_463 = arith.constant 0 : i32
          %dma_wait3A_464 = tpu.memref_slice %run_scoped3A[%rem3A_336, %dma_wait3A_462, %dma_wait3A_463] : memref<2x1x128xi32, #tpu.memory_space<vmem>> -> memref<1x1x128xi32, #tpu.memory_space<vmem>>
          %dma_wait3A_465 = tpu.memref_squeeze %dma_wait3A_464 : memref<1x1x128xi32, #tpu.memory_space<vmem>> -> memref<1x128xi32, #tpu.memory_space<vmem>>
          %dma_wait3A_466 = arith.constant 0 : i32
          %dma_wait3A_467 = tpu.memref_slice %dma_wait3A_465[%run_scoped3A_339, %dma_wait3A_466] : memref<1x128xi32, #tpu.memory_space<vmem>> -> memref<1x128xi32, #tpu.memory_space<vmem>>
          %dma_wait3A_468 = tpu.memref_squeeze %dma_wait3A_467 : memref<1x128xi32, #tpu.memory_space<vmem>> -> memref<128xi32, #tpu.memory_space<vmem>>
          %dma_wait3A_469 = arith.constant 0 : i32
          %dma_wait3A_470 = arith.constant 0 : i32
          %dma_wait3A_471 = tpu.memref_slice %arg5[%dma_wait3A_469, %dma_wait3A_470] : memref<10000x128xf32, #tpu.memory_space<vmem_shared>> -> memref<10000x128xf32, #tpu.memory_space<vmem_shared>>
          tpu.wait_indirect_dma semaphore(%run_scoped3A_443 : memref<!tpu.dma_semaphore, #tpu.memory_space<semaphore_mem>>) src(%dma_wait3A_471 : memref<10000x128xf32, #tpu.memory_space<vmem_shared>>) dst(%dma_wait3A_461 : memref<128x128xf32, #tpu.memory_space<vmem>>)
          tpu.yield
        }) : () -> ()
        "tpu.trace_stop"() : () -> ()
        %mul3A_340 = arith.constant 79 : i32
        %mul3A_341 = arith.muli %add3A_214, %mul3A_340 : i32
        %add3A_342 = arith.addi %mul3A_341, %add3A_216 : i32
        %mul3A_343 = arith.constant 79 : i32
        %mul3A_344 = arith.muli %add3A_252, %mul3A_343 : i32
        %add3A_345 = arith.addi %mul3A_344, %add3A_254 : i32
        %ne3A_346 = arith.cmpi ne, %add3A_342, %add3A_345 : i32
        %or3A_347 = arith.constant false
        %or3A_348 = arith.ori %or3A_347, %ne3A_346 : i1
        %or3A_349 = arith.ori %or3A_348, %eq3A_212 : i1
        %convert_element_type3A_350 = arith.extui %or3A_349 : i1 to i32
        %cond3A_351 = arith.constant 0 : i32
        %cond3A_352 = arith.cmpi ne, %convert_element_type3A_350, %cond3A_351 : i32
        scf.if %cond3A_352 {
        } else {
        }
        %and3A_353 = arith.constant false
        %and3A_354 = arith.andi %or3A_349, %and3A_353 : i1
        %mul3A_355 = arith.constant 79 : i32
        %mul3A_356 = arith.muli %add3A_214, %mul3A_355 : i32
        %add3A_357 = arith.addi %mul3A_356, %add3A_216 : i32
        %mul3A_358 = arith.constant 79 : i32
        %mul3A_359 = arith.muli %add3A_252, %mul3A_358 : i32
        %add3A_360 = arith.addi %mul3A_359, %add3A_254 : i32
        %ne3A_361 = arith.cmpi ne, %add3A_357, %add3A_360 : i32
        %or3A_362 = arith.constant false
        %or3A_363 = arith.ori %or3A_362, %ne3A_361 : i1
        %or3A_364 = arith.constant false
        %or3A_365 = arith.ori %or3A_363, %or3A_364 : i1
        %or3A_366 = arith.ori %or3A_365, %eq3A_212 : i1
        %convert_element_type3A_367 = arith.extui %or3A_366 : i1 to i32
        %cond3A_368 = arith.constant 0 : i32
        %cond3A_369 = arith.cmpi ne, %convert_element_type3A_367, %cond3A_368 : i32
        scf.if %cond3A_369 {
          "tpu.trace_start"() <{level = 10 : i32, message = "ep_copy_out"}> : () -> ()
          %rem3A_443 = arith.constant 2 : i32
          %rem3A_444 = arith.remui %scan3A_205, %rem3A_443 : i32
          %mul3A_445 = arith.constant 79 : i32
          %mul3A_446 = arith.muli %add3A_214, %mul3A_445 : i32
          %add3A_447 = arith.addi %mul3A_446, %add3A_216 : i32
          %mul3A_448 = arith.constant 128 : i32
          %mul3A_449 = arith.muli %mul3A_448, %add3A_447 : i32
          %dma_start3A_450 = arith.constant 0 : i32
          %dma_start3A_451 = arith.constant 0 : i32
          %dma_start3A_452 = tpu.memref_slice %run_scoped3A_10[%rem3A_444, %dma_start3A_450, %dma_start3A_451] : memref<2x128x128xf32, #tpu.memory_space<vmem>> -> memref<1x128x128xf32, #tpu.memory_space<vmem>>
          %dma_start3A_453 = tpu.memref_squeeze %dma_start3A_452 : memref<1x128x128xf32, #tpu.memory_space<vmem>> -> memref<128x128xf32, #tpu.memory_space<vmem>>
          %dma_start3A_454 = arith.constant 0 : i32
          %dma_start3A_455 = tpu.memref_slice %arg4[%mul3A_449, %dma_start3A_454] : memref<323584x128xf32, #tpu.memory_space<hbm>> -> memref<128x128xf32, #tpu.memory_space<hbm>>
          %dma_start3A_456 = tpu.memref_slice %run_scoped3A_11[%rem3A_444] : memref<2x!tpu.dma_semaphore, #tpu.memory_space<semaphore_mem>> -> memref<1x!tpu.dma_semaphore, #tpu.memory_space<semaphore_mem>>
          %dma_start3A_457 = tpu.memref_squeeze %dma_start3A_456 : memref<1x!tpu.dma_semaphore, #tpu.memory_space<semaphore_mem>> -> memref<!tpu.dma_semaphore, #tpu.memory_space<semaphore_mem>>
          %dma_start3A_458 = arith.constant 0 : i32
          %dma_start3A_459 = tpu.memref_slice %arg4[%mul3A_449, %dma_start3A_458] : memref<323584x128xf32, #tpu.memory_space<hbm>> -> memref<128x128xf32, #tpu.memory_space<hbm>>
          %dma_start3A_460 = arith.constant 0 : i32
          %dma_start3A_461 = arith.constant 0 : i32
          %dma_start3A_462 = tpu.memref_slice %run_scoped3A_10[%rem3A_444, %dma_start3A_460, %dma_start3A_461] : memref<2x128x128xf32, #tpu.memory_space<vmem>> -> memref<1x128x128xf32, #tpu.memory_space<vmem>>
          %dma_start3A_463 = tpu.memref_squeeze %dma_start3A_462 : memref<1x128x128xf32, #tpu.memory_space<vmem>> -> memref<128x128xf32, #tpu.memory_space<vmem>>
          tpu.enqueue_dma source(%dma_start3A_463 : memref<128x128xf32, #tpu.memory_space<vmem>>) target(%dma_start3A_459 : memref<128x128xf32, #tpu.memory_space<hbm>>) target_semaphore(%dma_start3A_457 : memref<!tpu.dma_semaphore, #tpu.memory_space<semaphore_mem>>)
          "tpu.trace_stop"() : () -> ()
        } else {
        }
        %and3A_370 = arith.constant true
        %and3A_371 = arith.andi %or3A_366, %and3A_370 : i1
        %add3A_372 = arith.constant 1 : i32
        %add3A_373 = arith.addi %scan3A_205, %add3A_372 : i32
        %select_n3A_374 = arith.select %and3A_371, %add3A_373, %scan3A_205 : i32
        %mul3A_375 = arith.constant 79 : i32
        %mul3A_376 = arith.muli %add3A_214, %mul3A_375 : i32
        %add3A_377 = arith.addi %mul3A_376, %add3A_216 : i32
        %mul3A_378 = arith.constant 79 : i32
        %mul3A_379 = arith.muli %add3A_233, %mul3A_378 : i32
        %add3A_380 = arith.addi %mul3A_379, %add3A_235 : i32
        %ne3A_381 = arith.cmpi ne, %add3A_377, %add3A_380 : i32
        %or3A_382 = arith.constant false
        %or3A_383 = arith.ori %or3A_382, %ne3A_381 : i1
        %not3A_384 = arith.constant true
        %not3A_385 = arith.xori %eq3A_210, %not3A_384 : i1
        %and3A_386 = arith.andi %or3A_383, %not3A_385 : i1
        %convert_element_type3A_387 = arith.extui %and3A_386 : i1 to i32
        %cond3A_388 = arith.constant 0 : i32
        %cond3A_389 = arith.cmpi ne, %convert_element_type3A_387, %cond3A_388 : i32
        scf.if %cond3A_389 {
        } else {
        }
        %and3A_390 = arith.constant false
        %and3A_391 = arith.andi %and3A_386, %and3A_390 : i1
        %mul3A_392 = arith.constant 79 : i32
        %mul3A_393 = arith.muli %add3A_214, %mul3A_392 : i32
        %add3A_394 = arith.addi %mul3A_393, %add3A_216 : i32
        %mul3A_395 = arith.constant 79 : i32
        %mul3A_396 = arith.muli %add3A_233, %mul3A_395 : i32
        %add3A_397 = arith.addi %mul3A_396, %add3A_235 : i32
        %ne3A_398 = arith.cmpi ne, %add3A_394, %add3A_397 : i32
        %or3A_399 = arith.constant false
        %or3A_400 = arith.ori %or3A_399, %ne3A_398 : i1
        %or3A_401 = arith.constant false
        %or3A_402 = arith.ori %or3A_400, %or3A_401 : i1
        %not3A_403 = arith.constant true
        %not3A_404 = arith.xori %eq3A_210, %not3A_403 : i1
        %and3A_405 = arith.andi %or3A_402, %not3A_404 : i1
        %convert_element_type3A_406 = arith.extui %and3A_405 : i1 to i32
        %cond3A_407 = arith.constant 0 : i32
        %cond3A_408 = arith.cmpi ne, %convert_element_type3A_406, %cond3A_407 : i32
        scf.if %cond3A_408 {
          "tpu.trace_start"() <{level = 10 : i32, message = "ep_wait_out"}> : () -> ()
          %rem3A_443 = arith.constant 2 : i32
          %rem3A_444 = arith.remui %scan3A_206, %rem3A_443 : i32
          %mul3A_445 = arith.constant 79 : i32
          %mul3A_446 = arith.muli %add3A_233, %mul3A_445 : i32
          %add3A_447 = arith.addi %mul3A_446, %add3A_235 : i32
          %mul3A_448 = arith.constant 128 : i32
          %mul3A_449 = arith.muli %mul3A_448, %add3A_447 : i32
          %dma_wait3A_450 = arith.constant 0 : i32
          %dma_wait3A_451 = arith.constant 0 : i32
          %dma_wait3A_452 = tpu.memref_slice %run_scoped3A_10[%rem3A_444, %dma_wait3A_450, %dma_wait3A_451] : memref<2x128x128xf32, #tpu.memory_space<vmem>> -> memref<1x128x128xf32, #tpu.memory_space<vmem>>
          %dma_wait3A_453 = tpu.memref_squeeze %dma_wait3A_452 : memref<1x128x128xf32, #tpu.memory_space<vmem>> -> memref<128x128xf32, #tpu.memory_space<vmem>>
          %dma_wait3A_454 = arith.constant 0 : i32
          %dma_wait3A_455 = tpu.memref_slice %arg4[%mul3A_449, %dma_wait3A_454] : memref<323584x128xf32, #tpu.memory_space<hbm>> -> memref<128x128xf32, #tpu.memory_space<hbm>>
          %dma_wait3A_456 = tpu.memref_slice %run_scoped3A_11[%rem3A_444] : memref<2x!tpu.dma_semaphore, #tpu.memory_space<semaphore_mem>> -> memref<1x!tpu.dma_semaphore, #tpu.memory_space<semaphore_mem>>
          %dma_wait3A_457 = tpu.memref_squeeze %dma_wait3A_456 : memref<1x!tpu.dma_semaphore, #tpu.memory_space<semaphore_mem>> -> memref<!tpu.dma_semaphore, #tpu.memory_space<semaphore_mem>>
          %dma_wait3A_458 = arith.constant 0 : i32
          %dma_wait3A_459 = tpu.memref_slice %arg4[%mul3A_449, %dma_wait3A_458] : memref<323584x128xf32, #tpu.memory_space<hbm>> -> memref<128x128xf32, #tpu.memory_space<hbm>>
          %dma_wait3A_460 = arith.constant 0 : i32
          %dma_wait3A_461 = arith.constant 0 : i32
          %dma_wait3A_462 = tpu.memref_slice %run_scoped3A_10[%rem3A_444, %dma_wait3A_460, %dma_wait3A_461] : memref<2x128x128xf32, #tpu.memory_space<vmem>> -> memref<1x128x128xf32, #tpu.memory_space<vmem>>
          %dma_wait3A_463 = tpu.memref_squeeze %dma_wait3A_462 : memref<1x128x128xf32, #tpu.memory_space<vmem>> -> memref<128x128xf32, #tpu.memory_space<vmem>>
          tpu.wait_dma2 semaphore(%dma_wait3A_457 : memref<!tpu.dma_semaphore, #tpu.memory_space<semaphore_mem>>) src(%dma_wait3A_463 : memref<128x128xf32, #tpu.memory_space<vmem>>) dst(%dma_wait3A_459 : memref<128x128xf32, #tpu.memory_space<hbm>>)
          "tpu.trace_stop"() : () -> ()
        } else {
        }
        %and3A_409 = arith.constant true
        %and3A_410 = arith.andi %and3A_405, %and3A_409 : i1
        %add3A_411 = arith.constant 1 : i32
        %add3A_412 = arith.addi %scan3A_206, %add3A_411 : i32
        %select_n3A_413 = arith.select %and3A_410, %add3A_412, %scan3A_206 : i32
        %mul3A_414 = arith.constant 79 : i32
        %mul3A_415 = arith.muli %add3A_214, %mul3A_414 : i32
        %add3A_416 = arith.addi %mul3A_415, %add3A_216 : i32
        %mul3A_417 = arith.constant 79 : i32
        %mul3A_418 = arith.muli %add3A_252, %mul3A_417 : i32
        %add3A_419 = arith.addi %mul3A_418, %add3A_254 : i32
        %ne3A_420 = arith.cmpi ne, %add3A_416, %add3A_419 : i32
        %or3A_421 = arith.constant false
        %or3A_422 = arith.ori %or3A_421, %ne3A_420 : i1
        %or3A_423 = arith.ori %or3A_422, %eq3A_212 : i1
        %add3A_424 = arith.constant 1 : i32
        %add3A_425 = arith.addi %scan3A_204, %add3A_424 : i32
        %select_n3A_426 = arith.select %or3A_423, %add3A_425, %scan3A_204 : i32
        %add3A_427 = arith.constant 1 : i32
        %add3A_428 = arith.addi %scan3A_208, %add3A_427 : i32
        %select_n3A_429 = arith.constant true
        %select_n3A_430 = arith.select %select_n3A_429, %add3A_428, %scan3A_208 : i32
        %eq3A_431 = arith.constant 79 : i32
        %eq3A_432 = arith.cmpi eq, %select_n3A_430, %eq3A_431 : i32
        %select_n3A_433 = arith.constant 0 : i32
        %select_n3A_434 = arith.select %eq3A_432, %select_n3A_433, %select_n3A_430 : i32
        %select_n3A_435 = arith.constant 0 : i32
        %select_n3A_436 = arith.constant 1 : i32
        %select_n3A_437 = arith.select %eq3A_432, %select_n3A_436, %select_n3A_435 : i32
        %eq3A_438 = arith.constant 1 : i32
        %eq3A_439 = arith.cmpi eq, %select_n3A_437, %eq3A_438 : i32
        %select_n3A_440 = arith.constant 0 : i32
        %select_n3A_441 = arith.select %eq3A_439, %select_n3A_440, %select_n3A_437 : i32
        %scan3A_442 = arith.constant 0 : i32
        scf.yield %select_n3A_290, %select_n3A_426, %select_n3A_374, %select_n3A_413, %scan3A_442, %select_n3A_434 : i32, i32, i32, i32, i32, i32
      }
      %scan3A_106 = arith.constant 79 : i32
      %sub3A = arith.constant 1 : i32
      %sub3A_107 = arith.subi %scan3A_105#5, %sub3A : i32
      %select_n3A_108 = arith.constant true
      %select_n3A_109 = arith.select %select_n3A_108, %sub3A_107, %scan3A_105#5 : i32
      %eq3A_110 = arith.constant -1 : i32
      %eq3A_111 = arith.cmpi eq, %select_n3A_109, %eq3A_110 : i32
      %select_n3A_112 = arith.constant 78 : i32
      %select_n3A_113 = arith.select %eq3A_111, %select_n3A_112, %select_n3A_109 : i32
      %sub3A_114 = arith.constant 1 : i32
      %sub3A_115 = arith.subi %scan3A_105#4, %sub3A_114 : i32
      %select_n3A_116 = arith.select %eq3A_111, %sub3A_115, %scan3A_105#4 : i32
      %eq3A_117 = arith.constant -1 : i32
      %eq3A_118 = arith.cmpi eq, %select_n3A_116, %eq3A_117 : i32
      %select_n3A_119 = arith.constant 0 : i32
      %select_n3A_120 = arith.select %eq3A_118, %select_n3A_119, %select_n3A_116 : i32
      %add3A_121 = arith.constant 0 : i32
      %add3A_122 = arith.addi %add3A_121, %mul3A_8 : i32
      %add3A_123 = arith.constant 0 : i32
      %add3A_124 = arith.addi %select_n3A_113, %add3A_123 : i32
      %sub3A_125 = arith.constant 1 : i32
      %sub3A_126 = arith.subi %select_n3A_113, %sub3A_125 : i32
      %select_n3A_127 = arith.constant true
      %select_n3A_128 = arith.select %select_n3A_127, %sub3A_126, %select_n3A_113 : i32
      %eq3A_129 = arith.constant -1 : i32
      %eq3A_130 = arith.cmpi eq, %select_n3A_128, %eq3A_129 : i32
      %select_n3A_131 = arith.constant 78 : i32
      %select_n3A_132 = arith.select %eq3A_130, %select_n3A_131, %select_n3A_128 : i32
      %select_n3A_133 = arith.constant 0 : i32
      %select_n3A_134 = arith.constant -1 : i32
      %select_n3A_135 = arith.select %eq3A_130, %select_n3A_134, %select_n3A_133 : i32
      %eq3A_136 = arith.constant -1 : i32
      %eq3A_137 = arith.cmpi eq, %select_n3A_135, %eq3A_136 : i32
      %select_n3A_138 = arith.constant 0 : i32
      %select_n3A_139 = arith.select %eq3A_137, %select_n3A_138, %select_n3A_135 : i32
      %add3A_140 = arith.constant 0 : i32
      %add3A_141 = arith.addi %add3A_140, %mul3A_8 : i32
      %add3A_142 = arith.constant 0 : i32
      %add3A_143 = arith.addi %select_n3A_132, %add3A_142 : i32
      %add3A_144 = arith.constant 1 : i32
      %add3A_145 = arith.addi %select_n3A_113, %add3A_144 : i32
      %select_n3A_146 = arith.constant true
      %select_n3A_147 = arith.select %select_n3A_146, %add3A_145, %select_n3A_113 : i32
      %eq3A_148 = arith.constant 79 : i32
      %eq3A_149 = arith.cmpi eq, %select_n3A_147, %eq3A_148 : i32
      %select_n3A_150 = arith.constant 0 : i32
      %select_n3A_151 = arith.select %eq3A_149, %select_n3A_150, %select_n3A_147 : i32
      %select_n3A_152 = arith.constant 0 : i32
      %select_n3A_153 = arith.constant 1 : i32
      %select_n3A_154 = arith.select %eq3A_149, %select_n3A_153, %select_n3A_152 : i32
      %eq3A_155 = arith.constant 1 : i32
      %eq3A_156 = arith.cmpi eq, %select_n3A_154, %eq3A_155 : i32
      %select_n3A_157 = arith.constant 0 : i32
      %select_n3A_158 = arith.select %eq3A_156, %select_n3A_157, %select_n3A_154 : i32
      %add3A_159 = arith.constant 0 : i32
      %add3A_160 = arith.addi %add3A_159, %mul3A_8 : i32
      %add3A_161 = arith.constant 0 : i32
      %add3A_162 = arith.addi %select_n3A_151, %add3A_161 : i32
      %add3A_163 = arith.constant 1 : i32
      %add3A_164 = arith.addi %select_n3A_151, %add3A_163 : i32
      %select_n3A_165 = arith.constant true
      %select_n3A_166 = arith.select %select_n3A_165, %add3A_164, %select_n3A_151 : i32
      %eq3A_167 = arith.constant 79 : i32
      %eq3A_168 = arith.cmpi eq, %select_n3A_166, %eq3A_167 : i32
      %select_n3A_169 = arith.constant 0 : i32
      %select_n3A_170 = arith.select %eq3A_168, %select_n3A_169, %select_n3A_166 : i32
      %select_n3A_171 = arith.constant 0 : i32
      %select_n3A_172 = arith.constant 1 : i32
      %select_n3A_173 = arith.select %eq3A_168, %select_n3A_172, %select_n3A_171 : i32
      %eq3A_174 = arith.constant 1 : i32
      %eq3A_175 = arith.cmpi eq, %select_n3A_173, %eq3A_174 : i32
      %select_n3A_176 = arith.constant 0 : i32
      %select_n3A_177 = arith.select %eq3A_175, %select_n3A_176, %select_n3A_173 : i32
      %add3A_178 = arith.constant 0 : i32
      %add3A_179 = arith.addi %add3A_178, %mul3A_8 : i32
      %add3A_180 = arith.constant 0 : i32
      %add3A_181 = arith.addi %select_n3A_170, %add3A_180 : i32
      "tpu.trace_start"() <{level = 10 : i32, message = "ep_finalize"}> : () -> ()
      %rem3A_182 = arith.constant 2 : i32
      %rem3A_183 = arith.remui %scan3A_105#3, %rem3A_182 : i32
      %mul3A_184 = arith.constant 79 : i32
      %mul3A_185 = arith.muli %add3A_122, %mul3A_184 : i32
      %add3A_186 = arith.addi %mul3A_185, %add3A_124 : i32
      %mul3A_187 = arith.constant 128 : i32
      %mul3A_188 = arith.muli %mul3A_187, %add3A_186 : i32
      %dma_wait3A = arith.constant 0 : i32
      %dma_wait3A_189 = arith.constant 0 : i32
      %dma_wait3A_190 = tpu.memref_slice %run_scoped3A_10[%rem3A_183, %dma_wait3A, %dma_wait3A_189] : memref<2x128x128xf32, #tpu.memory_space<vmem>> -> memref<1x128x128xf32, #tpu.memory_space<vmem>>
      %dma_wait3A_191 = tpu.memref_squeeze %dma_wait3A_190 : memref<1x128x128xf32, #tpu.memory_space<vmem>> -> memref<128x128xf32, #tpu.memory_space<vmem>>
      %dma_wait3A_192 = arith.constant 0 : i32
      %dma_wait3A_193 = tpu.memref_slice %arg4[%mul3A_188, %dma_wait3A_192] : memref<323584x128xf32, #tpu.memory_space<hbm>> -> memref<128x128xf32, #tpu.memory_space<hbm>>
      %dma_wait3A_194 = tpu.memref_slice %run_scoped3A_11[%rem3A_183] : memref<2x!tpu.dma_semaphore, #tpu.memory_space<semaphore_mem>> -> memref<1x!tpu.dma_semaphore, #tpu.memory_space<semaphore_mem>>
      %dma_wait3A_195 = tpu.memref_squeeze %dma_wait3A_194 : memref<1x!tpu.dma_semaphore, #tpu.memory_space<semaphore_mem>> -> memref<!tpu.dma_semaphore, #tpu.memory_space<semaphore_mem>>
      %dma_wait3A_196 = arith.constant 0 : i32
      %dma_wait3A_197 = tpu.memref_slice %arg4[%mul3A_188, %dma_wait3A_196] : memref<323584x128xf32, #tpu.memory_space<hbm>> -> memref<128x128xf32, #tpu.memory_space<hbm>>
      %dma_wait3A_198 = arith.constant 0 : i32
      %dma_wait3A_199 = arith.constant 0 : i32
      %dma_wait3A_200 = tpu.memref_slice %run_scoped3A_10[%rem3A_183, %dma_wait3A_198, %dma_wait3A_199] : memref<2x128x128xf32, #tpu.memory_space<vmem>> -> memref<1x128x128xf32, #tpu.memory_space<vmem>>
      %dma_wait3A_201 = tpu.memref_squeeze %dma_wait3A_200 : memref<1x128x128xf32, #tpu.memory_space<vmem>> -> memref<128x128xf32, #tpu.memory_space<vmem>>
      tpu.wait_dma2 semaphore(%dma_wait3A_195 : memref<!tpu.dma_semaphore, #tpu.memory_space<semaphore_mem>>) src(%dma_wait3A_201 : memref<128x128xf32, #tpu.memory_space<vmem>>) dst(%dma_wait3A_197 : memref<128x128xf32, #tpu.memory_space<hbm>>)
      "tpu.trace_stop"() : () -> ()
      tpu.yield
    }) : () -> ()
    return
  }
}

module attributes {stable_mosaic.version = 14 : i64} {
  func.func @body(%arg0: i32, %arg1: memref<6400x128xf32, #tpu.memory_space<vmem>>, %arg2: memref<6400x16xf32, #tpu.memory_space<vmem>>, %arg3: memref<200x256xf32, #tpu.memory_space<vmem>>, %arg4: memref<272x256xf32, #tpu.memory_space<vmem>>, %arg5: memref<8x256xf32, #tpu.memory_space<vmem>>) attributes {dimension_semantics = [#tpu.dimension_semantics<arbitrary>], iteration_bounds = array<i64: 50>, scalar_prefetch = 0 : i64, scratch_operands = 0 : i64, tpu.core_type = #tpu.core_type<tc>, window_params = [{transform_indices = @transform_0, window_bounds = array<i64: 6400, 128>}, {transform_indices = @transform_1, window_bounds = array<i64: 6400, 16>}, {transform_indices = @transform_2, window_bounds = array<i64: 200, 256>}, {pipeline_mode = #tpu.pipeline_mode<synchronous>, transform_indices = @transform_3, window_bounds = array<i64: 272, 256>}, {pipeline_mode = #tpu.pipeline_mode<synchronous>, transform_indices = @transform_4, window_bounds = array<i64: 8, 256>}]} {
    %get3A = arith.constant 128 : index
    %get3A_0 = arith.constant 0 : index
    %get3A_1 = vector.load %arg4[%get3A, %get3A_0] : memref<272x256xf32, #tpu.memory_space<vmem>>, vector<128x256xf32>
    %convert_element_type3A = arith.truncf %get3A_1 : vector<128x256xf32> to vector<128x256xbf16>
    %get3A_2 = arith.constant 256 : index
    %get3A_3 = arith.constant 0 : index
    %get3A_4 = vector.load %arg4[%get3A_2, %get3A_3] : memref<272x256xf32, #tpu.memory_space<vmem>>, vector<16x256xf32>
    %convert_element_type3A_5 = arith.truncf %get3A_4 : vector<16x256xf32> to vector<16x256xbf16>
    %get3A_6 = arith.constant 0 : index
    %get3A_7 = arith.constant 0 : index
    %get3A_8 = vector.load %arg1[%get3A_6, %get3A_7] : memref<6400x128xf32, #tpu.memory_space<vmem>>, vector<6400x128xf32>
    %convert_element_type3A_9 = arith.truncf %get3A_8 : vector<6400x128xf32> to vector<6400x128xbf16>
    %dot_general3A = arith.constant dense<0.000000e+00> : vector<6400x256xf32>
    %dot_general3A_10 = tpu.matmul %convert_element_type3A_9, %convert_element_type3A, %dot_general3A {dimension_numbers = #tpu.dot_dimension_numbers<[1], [0], [0], [1], [0, 0, 1, 1], [], []>, transpose_lhs_hint = false} : vector<6400x128xbf16>, vector<128x256xbf16>, vector<6400x256xf32> -> vector<6400x256xf32>
    %get3A_11 = arith.constant 0 : index
    %get3A_12 = arith.constant 0 : index
    %get3A_13 = vector.load %arg2[%get3A_11, %get3A_12] : memref<6400x16xf32, #tpu.memory_space<vmem>>, vector<6400x16xf32>
    %convert_element_type3A_14 = arith.truncf %get3A_13 : vector<6400x16xf32> to vector<6400x16xbf16>
    %dot_general3A_15 = arith.constant dense<0.000000e+00> : vector<6400x256xf32>
    %dot_general3A_16 = tpu.matmul %convert_element_type3A_14, %convert_element_type3A_5, %dot_general3A_15 {dimension_numbers = #tpu.dot_dimension_numbers<[1], [0], [0], [1], [0, 0, 1, 1], [], []>, transpose_lhs_hint = false} : vector<6400x16xbf16>, vector<16x256xbf16>, vector<6400x256xf32> -> vector<6400x256xf32>
    %add3A = arith.addf %dot_general3A_10, %dot_general3A_16 : vector<6400x256xf32>
    %reshape3A = vector.shape_cast %add3A : vector<6400x256xf32> to vector<200x32x256xf32>
    %get3A_17 = arith.constant 0 : index
    %get3A_18 = arith.constant 0 : index
    %get3A_19 = vector.load %arg3[%get3A_17, %get3A_18] : memref<200x256xf32, #tpu.memory_space<vmem>>, vector<200x256xf32>
    %broadcast_in_dim3A = vector.shape_cast %get3A_19 : vector<200x256xf32> to vector<200x1x256xf32>
    %add3A_20 = vector.broadcast %broadcast_in_dim3A : vector<200x1x256xf32> to vector<200x32x256xf32>
    %add3A_21 = arith.addf %reshape3A, %add3A_20 : vector<200x32x256xf32>
    %eq3A = arith.constant 0 : i32
    %eq3A_22 = arith.cmpi eq, %arg0, %eq3A : i32
    %convert_element_type3A_23 = arith.extui %eq3A_22 : i1 to i32
    %cond3A = arith.constant 0 : i32
    %cond3A_24 = arith.cmpi ne, %convert_element_type3A_23, %cond3A : i32
    scf.if %cond3A_24 {
      %broadcast_in_dim3A_43 = arith.constant 0.000000e+00 : f32
      %broadcast_in_dim3A_44 = vector.broadcast %broadcast_in_dim3A_43 : f32 to vector<8x256xf32>
      %swap3A_45 = arith.constant 0 : index
      %swap3A_46 = arith.constant 0 : index
      %swap3A_47 = vector.load %arg5[%swap3A_45, %swap3A_46] : memref<8x256xf32, #tpu.memory_space<vmem>>, vector<8x256xf32>
      tpu.vector_store %arg5[%swap3A_45, %swap3A_46], %broadcast_in_dim3A_44 {strides = array<i32>} : memref<8x256xf32, #tpu.memory_space<vmem>>, vector<8x256xf32>,
    } else {
    }
    %get3A_25 = arith.constant 0 : index
    %get3A_26 = arith.constant 0 : index
    %get3A_27 = vector.load %arg5[%get3A_25, %get3A_26] : memref<8x256xf32, #tpu.memory_space<vmem>>, vector<1x256xf32>
    %reduce_sum3A = arith.constant dense<0.000000e+00> : vector<256xf32>
    %reduce_sum3A_28 = vector.multi_reduction <add>, %add3A_21, %reduce_sum3A [0, 1] : vector<200x32x256xf32> to vector<256xf32>
    %broadcast_in_dim3A_29 = vector.shape_cast %reduce_sum3A_28 : vector<256xf32> to vector<1x256xf32>
    %add3A_30 = arith.addf %get3A_27, %broadcast_in_dim3A_29 : vector<1x256xf32>
    %swap3A = arith.constant 0 : index
    %swap3A_31 = arith.constant 0 : index
    %swap3A_32 = vector.load %arg5[%swap3A, %swap3A_31] : memref<8x256xf32, #tpu.memory_space<vmem>>, vector<1x256xf32>
    tpu.vector_store %arg5[%swap3A, %swap3A_31], %add3A_30 {strides = array<i32>} : memref<8x256xf32, #tpu.memory_space<vmem>>, vector<1x256xf32>,
    %get3A_33 = arith.constant 1 : index
    %get3A_34 = arith.constant 0 : index
    %get3A_35 = vector.load %arg5[%get3A_33, %get3A_34] : memref<8x256xf32, #tpu.memory_space<vmem>>, vector<1x256xf32>
    %mul3A = arith.mulf %add3A_21, %add3A_21 : vector<200x32x256xf32>
    %reduce_sum3A_36 = arith.constant dense<0.000000e+00> : vector<256xf32>
    %reduce_sum3A_37 = vector.multi_reduction <add>, %mul3A, %reduce_sum3A_36 [0, 1] : vector<200x32x256xf32> to vector<256xf32>
    %broadcast_in_dim3A_38 = vector.shape_cast %reduce_sum3A_37 : vector<256xf32> to vector<1x256xf32>
    %add3A_39 = arith.addf %get3A_35, %broadcast_in_dim3A_38 : vector<1x256xf32>
    %swap3A_40 = arith.constant 1 : index
    %swap3A_41 = arith.constant 0 : index
    %swap3A_42 = vector.load %arg5[%swap3A_40, %swap3A_41] : memref<8x256xf32, #tpu.memory_space<vmem>>, vector<1x256xf32>
    tpu.vector_store %arg5[%swap3A_40, %swap3A_41], %add3A_39 {strides = array<i32>} : memref<8x256xf32, #tpu.memory_space<vmem>>, vector<1x256xf32>,
    return
  }
  func.func @transform_0(%arg0: i32) -> (i32, i32) {
    %c0_i32 = arith.constant 0 : i32
    %c0_i32_0 = arith.constant 0 : i32
    return %arg0, %c0_i32 : i32, i32
  }
  func.func @transform_1(%arg0: i32) -> (i32, i32) {
    %add3A = arith.constant 0 : i32
    %add3A_0 = arith.addi %add3A, %arg0 : i32
    %c0_i32 = arith.constant 0 : i32
    %c0_i32_1 = arith.constant 0 : i32
    return %add3A_0, %c0_i32 : i32, i32
  }
  func.func @transform_2(%arg0: i32) -> (i32, i32) {
    %add3A = arith.constant 0 : i32
    %add3A_0 = arith.addi %add3A, %arg0 : i32
    %c0_i32 = arith.constant 0 : i32
    %c0_i32_1 = arith.constant 0 : i32
    return %add3A_0, %c0_i32 : i32, i32
  }
  func.func @transform_3(%arg0: i32) -> (i32, i32) {
    %c0_i32 = arith.constant 0 : i32
    %c0_i32_0 = arith.constant 0 : i32
    %c0_i32_1 = arith.constant 0 : i32
    return %c0_i32, %c0_i32_0 : i32, i32
  }
  func.func @transform_4(%arg0: i32) -> (i32, i32) {
    %c0_i32 = arith.constant 0 : i32
    %c0_i32_0 = arith.constant 0 : i32
    %c0_i32_1 = arith.constant 0 : i32
    return %c0_i32, %c0_i32_0 : i32, i32
  }
}

module attributes {stable_mosaic.version = 14 : i64} {
  func.func @body(%arg0: i32, %arg1: memref<1000x128xf32, #tpu.memory_space<vmem>>, %arg2: memref<272x256xf32, #tpu.memory_space<vmem>>, %arg3: memref<1x256xf32, #tpu.memory_space<vmem>>, %arg4: memref<1000x256xf32, #tpu.memory_space<vmem>>) attributes {dimension_semantics = [#tpu.dimension_semantics<arbitrary>], iteration_bounds = array<i64: 10>, scalar_prefetch = 0 : i64, scratch_operands = 0 : i64, tpu.core_type = #tpu.core_type<tc>, window_params = [{transform_indices = @transform_0, window_bounds = array<i64: 1000, 128>}, {pipeline_mode = #tpu.pipeline_mode<synchronous>, transform_indices = @transform_1, window_bounds = array<i64: 272, 256>}, {pipeline_mode = #tpu.pipeline_mode<synchronous>, transform_indices = @transform_2, window_bounds = array<i64: 1, 256>}, {transform_indices = @transform_3, window_bounds = array<i64: 1000, 256>}]} {
    %get3A = arith.constant 0 : index
    %get3A_0 = arith.constant 0 : index
    %get3A_1 = vector.load %arg2[%get3A, %get3A_0] : memref<272x256xf32, #tpu.memory_space<vmem>>, vector<128x256xf32>
    %get3A_2 = arith.constant 0 : index
    %get3A_3 = arith.constant 0 : index
    %get3A_4 = vector.load %arg1[%get3A_2, %get3A_3] : memref<1000x128xf32, #tpu.memory_space<vmem>>, vector<1000x128xf32>
    %dot_general3A = arith.constant dense<0.000000e+00> : vector<1000x256xf32>
    %dot_general3A_5 = tpu.matmul %get3A_4, %get3A_1, %dot_general3A {dimension_numbers = #tpu.dot_dimension_numbers<[1], [0], [0], [1], [0, 0, 1, 1], [], []>, transpose_lhs_hint = false} : vector<1000x128xf32>, vector<128x256xf32>, vector<1000x256xf32> -> vector<1000x256xf32>
    %get3A_6 = arith.constant 0 : index
    %get3A_7 = arith.constant 0 : index
    %get3A_8 = vector.load %arg3[%get3A_6, %get3A_7] : memref<1x256xf32, #tpu.memory_space<vmem>>, vector<1x256xf32>
    %add3A = vector.broadcast %get3A_8 : vector<1x256xf32> to vector<1000x256xf32>
    %add3A_9 = arith.addf %dot_general3A_5, %add3A : vector<1000x256xf32>
    %swap3A = arith.constant 0 : index
    %swap3A_10 = arith.constant 0 : index
    %swap3A_11 = vector.load %arg4[%swap3A, %swap3A_10] : memref<1000x256xf32, #tpu.memory_space<vmem>>, vector<1000x256xf32>
    tpu.vector_store %arg4[%swap3A, %swap3A_10], %add3A_9 {strides = array<i32>} : memref<1000x256xf32, #tpu.memory_space<vmem>>, vector<1000x256xf32>,
    return
  }
  func.func @transform_0(%arg0: i32) -> (i32, i32) {
    %c0_i32 = arith.constant 0 : i32
    %c0_i32_0 = arith.constant 0 : i32
    return %arg0, %c0_i32 : i32, i32
  }
  func.func @transform_1(%arg0: i32) -> (i32, i32) {
    %c0_i32 = arith.constant 0 : i32
    %c0_i32_0 = arith.constant 0 : i32
    %c0_i32_1 = arith.constant 0 : i32
    return %c0_i32, %c0_i32_0 : i32, i32
  }
  func.func @transform_2(%arg0: i32) -> (i32, i32) {
    %c0_i32 = arith.constant 0 : i32
    %c0_i32_0 = arith.constant 0 : i32
    %c0_i32_1 = arith.constant 0 : i32
    return %c0_i32, %c0_i32_0 : i32, i32
  }
  func.func @transform_3(%arg0: i32) -> (i32, i32) {
    %c0_i32 = arith.constant 0 : i32
    %c0_i32_0 = arith.constant 0 : i32
    return %arg0, %c0_i32 : i32, i32
  }
}

module attributes {stable_mosaic.version = 14 : i64} {
  func.func @body(%arg0: i32, %arg1: memref<6400x128xf32, #tpu.memory_space<vmem>>, %arg2: memref<6400x16xf32, #tpu.memory_space<vmem>>, %arg3: memref<200x256xf32, #tpu.memory_space<vmem>>, %arg4: memref<272x256xf32, #tpu.memory_space<vmem>>, %arg5: memref<8x256xf32, #tpu.memory_space<vmem>>, %arg6: memref<1x256xf32, #tpu.memory_space<vmem>>, %arg7: memref<1x256xf32, #tpu.memory_space<vmem>>, %arg8: memref<200x128xf32, #tpu.memory_space<vmem>>, %arg9: memref<8x128xf32, #tpu.memory_space<vmem>>) attributes {dimension_semantics = [#tpu.dimension_semantics<arbitrary>], iteration_bounds = array<i64: 50>, scalar_prefetch = 0 : i64, scratch_operands = 0 : i64, tpu.core_type = #tpu.core_type<tc>, window_params = [{transform_indices = @transform_0, window_bounds = array<i64: 6400, 128>}, {transform_indices = @transform_1, window_bounds = array<i64: 6400, 16>}, {transform_indices = @transform_2, window_bounds = array<i64: 200, 256>}, {pipeline_mode = #tpu.pipeline_mode<synchronous>, transform_indices = @transform_3, window_bounds = array<i64: 272, 256>}, {pipeline_mode = #tpu.pipeline_mode<synchronous>, transform_indices = @transform_4, window_bounds = array<i64: 8, 256>}, {pipeline_mode = #tpu.pipeline_mode<synchronous>, transform_indices = @transform_5, window_bounds = array<i64: 1, 256>}, {pipeline_mode = #tpu.pipeline_mode<synchronous>, transform_indices = @transform_6, window_bounds = array<i64: 1, 256>}, {transform_indices = @transform_7, window_bounds = array<i64: 200, 128>}, {pipeline_mode = #tpu.pipeline_mode<synchronous>, transform_indices = @transform_8, window_bounds = array<i64: 8, 128>}]} {
    %get3A = arith.constant 0 : index
    %get3A_0 = arith.constant 0 : index
    %get3A_1 = vector.load %arg5[%get3A, %get3A_0] : memref<8x256xf32, #tpu.memory_space<vmem>>, vector<8x256xf32>
    %reshape3A = vector.shape_cast %get3A_1 : vector<8x256xf32> to vector<1x8x256xf32>
    %reduce_sum3A = arith.constant dense<0.000000e+00> : vector<8x256xf32>
    %reduce_sum3A_2 = vector.multi_reduction <add>, %reshape3A, %reduce_sum3A [0] : vector<1x8x256xf32> to vector<8x256xf32>
    %slice3A = vector.extract_strided_slice %reduce_sum3A_2 {offsets = [0, 0], sizes = [1, 256], strides = [1, 1]} : vector<8x256xf32> to vector<1x256xf32>
    %div3A = arith.constant 3.200000e+05 : f32
    %div3A_3 = vector.broadcast %div3A : f32 to vector<1x256xf32>
    %div3A_4 = arith.divf %slice3A, %div3A_3 : vector<1x256xf32>
    %slice3A_5 = vector.extract_strided_slice %reduce_sum3A_2 {offsets = [1, 0], sizes = [1, 256], strides = [1, 1]} : vector<8x256xf32> to vector<1x256xf32>
    %div3A_6 = arith.constant 3.200000e+05 : f32
    %div3A_7 = vector.broadcast %div3A_6 : f32 to vector<1x256xf32>
    %div3A_8 = arith.divf %slice3A_5, %div3A_7 : vector<1x256xf32>
    %mul3A = arith.mulf %div3A_4, %div3A_4 : vector<1x256xf32>
    %sub3A = arith.subf %div3A_8, %mul3A : vector<1x256xf32>
    %get3A_9 = arith.constant 0 : index
    %get3A_10 = arith.constant 0 : index
    %get3A_11 = vector.load %arg6[%get3A_9, %get3A_10] : memref<1x256xf32, #tpu.memory_space<vmem>>, vector<1x256xf32>
    %add3A = arith.constant 9.99999974E-6 : f32
    %add3A_12 = vector.broadcast %add3A : f32 to vector<1x256xf32>
    %add3A_13 = arith.addf %sub3A, %add3A_12 : vector<1x256xf32>
    %rsqrt3A = math.rsqrt %add3A_13 : vector<1x256xf32>
    %mul3A_14 = arith.mulf %get3A_11, %rsqrt3A : vector<1x256xf32>
    %get3A_15 = arith.constant 0 : index
    %get3A_16 = arith.constant 0 : index
    %get3A_17 = vector.load %arg7[%get3A_15, %get3A_16] : memref<1x256xf32, #tpu.memory_space<vmem>>, vector<1x256xf32>
    %mul3A_18 = arith.mulf %div3A_4, %mul3A_14 : vector<1x256xf32>
    %sub3A_19 = arith.subf %get3A_17, %mul3A_18 : vector<1x256xf32>
    %get3A_20 = arith.constant 128 : index
    %get3A_21 = arith.constant 0 : index
    %get3A_22 = vector.load %arg4[%get3A_20, %get3A_21] : memref<272x256xf32, #tpu.memory_space<vmem>>, vector<128x256xf32>
    %convert_element_type3A = arith.truncf %get3A_22 : vector<128x256xf32> to vector<128x256xbf16>
    %get3A_23 = arith.constant 256 : index
    %get3A_24 = arith.constant 0 : index
    %get3A_25 = vector.load %arg4[%get3A_23, %get3A_24] : memref<272x256xf32, #tpu.memory_space<vmem>>, vector<16x256xf32>
    %convert_element_type3A_26 = arith.truncf %get3A_25 : vector<16x256xf32> to vector<16x256xbf16>
    %get3A_27 = arith.constant 0 : index
    %get3A_28 = arith.constant 0 : index
    %get3A_29 = vector.load %arg1[%get3A_27, %get3A_28] : memref<6400x128xf32, #tpu.memory_space<vmem>>, vector<6400x128xf32>
    %convert_element_type3A_30 = arith.truncf %get3A_29 : vector<6400x128xf32> to vector<6400x128xbf16>
    %dot_general3A = arith.constant dense<0.000000e+00> : vector<6400x256xf32>
    %dot_general3A_31 = tpu.matmul %convert_element_type3A_30, %convert_element_type3A, %dot_general3A {dimension_numbers = #tpu.dot_dimension_numbers<[1], [0], [0], [1], [0, 0, 1, 1], [], []>, transpose_lhs_hint = false} : vector<6400x128xbf16>, vector<128x256xbf16>, vector<6400x256xf32> -> vector<6400x256xf32>
    %get3A_32 = arith.constant 0 : index
    %get3A_33 = arith.constant 0 : index
    %get3A_34 = vector.load %arg2[%get3A_32, %get3A_33] : memref<6400x16xf32, #tpu.memory_space<vmem>>, vector<6400x16xf32>
    %convert_element_type3A_35 = arith.truncf %get3A_34 : vector<6400x16xf32> to vector<6400x16xbf16>
    %dot_general3A_36 = arith.constant dense<0.000000e+00> : vector<6400x256xf32>
    %dot_general3A_37 = tpu.matmul %convert_element_type3A_35, %convert_element_type3A_26, %dot_general3A_36 {dimension_numbers = #tpu.dot_dimension_numbers<[1], [0], [0], [1], [0, 0, 1, 1], [], []>, transpose_lhs_hint = false} : vector<6400x16xbf16>, vector<16x256xbf16>, vector<6400x256xf32> -> vector<6400x256xf32>
    %add3A_38 = arith.addf %dot_general3A_31, %dot_general3A_37 : vector<6400x256xf32>
    %reshape3A_39 = vector.shape_cast %add3A_38 : vector<6400x256xf32> to vector<200x32x256xf32>
    %get3A_40 = arith.constant 0 : index
    %get3A_41 = arith.constant 0 : index
    %get3A_42 = vector.load %arg3[%get3A_40, %get3A_41] : memref<200x256xf32, #tpu.memory_space<vmem>>, vector<200x256xf32>
    %broadcast_in_dim3A = vector.shape_cast %get3A_42 : vector<200x256xf32> to vector<200x1x256xf32>
    %add3A_43 = vector.broadcast %broadcast_in_dim3A : vector<200x1x256xf32> to vector<200x32x256xf32>
    %add3A_44 = arith.addf %reshape3A_39, %add3A_43 : vector<200x32x256xf32>
    %broadcast_in_dim3A_45 = vector.shape_cast %mul3A_14 : vector<1x256xf32> to vector<1x1x256xf32>
    %mul3A_46 = vector.broadcast %broadcast_in_dim3A_45 : vector<1x1x256xf32> to vector<200x32x256xf32>
    %mul3A_47 = arith.mulf %add3A_44, %mul3A_46 : vector<200x32x256xf32>
    %broadcast_in_dim3A_48 = vector.shape_cast %sub3A_19 : vector<1x256xf32> to vector<1x1x256xf32>
    %add3A_49 = vector.broadcast %broadcast_in_dim3A_48 : vector<1x1x256xf32> to vector<200x32x256xf32>
    %add3A_50 = arith.addf %mul3A_47, %add3A_49 : vector<200x32x256xf32>
    %slice3A_51 = vector.extract_strided_slice %add3A_50 {offsets = [0, 0, 0], sizes = [200, 32, 128], strides = [1, 1, 1]} : vector<200x32x256xf32> to vector<200x32x128xf32>
    %mul3A_52 = arith.constant 5.000000e-01 : f32
    %mul3A_53 = vector.broadcast %mul3A_52 : f32 to vector<200x32x128xf32>
    %mul3A_54 = arith.mulf %mul3A_53, %slice3A_51 : vector<200x32x128xf32>
    %tanh3A = math.tanh %mul3A_54 : vector<200x32x128xf32>
    %mul3A_55 = arith.constant 5.000000e-01 : f32
    %mul3A_56 = vector.broadcast %mul3A_55 : f32 to vector<200x32x128xf32>
    %mul3A_57 = arith.mulf %mul3A_56, %tanh3A : vector<200x32x128xf32>
    %add3A_58 = arith.constant 5.000000e-01 : f32
    %add3A_59 = vector.broadcast %add3A_58 : f32 to vector<200x32x128xf32>
    %add3A_60 = arith.addf %mul3A_57, %add3A_59 : vector<200x32x128xf32>
    %slice3A_61 = vector.extract_strided_slice %add3A_50 {offsets = [0, 0, 128], sizes = [200, 32, 128], strides = [1, 1, 1]} : vector<200x32x256xf32> to vector<200x32x128xf32>
    %abs3A = math.absf %slice3A_61 : vector<200x32x128xf32>
    %neg3A = arith.constant 0.000000e+00 : f32
    %neg3A_62 = vector.broadcast %neg3A : f32 to vector<200x32x128xf32>
    %neg3A_63 = arith.subf %neg3A_62, %abs3A : vector<200x32x128xf32>
    %mul3A_64 = arith.constant 1.44269502 : f32
    %mul3A_65 = vector.broadcast %mul3A_64 : f32 to vector<200x32x128xf32>
    %mul3A_66 = arith.mulf %neg3A_63, %mul3A_65 : vector<200x32x128xf32>
    %exp23A = math.exp2 %mul3A_66 : vector<200x32x128xf32>
    %max3A = arith.constant 0.000000e+00 : f32
    %max3A_67 = vector.broadcast %max3A : f32 to vector<200x32x128xf32>
    %max3A_68 = arith.maximumf %slice3A_61, %max3A_67 : vector<200x32x128xf32>
    %add3A_69 = arith.constant 1.000000e+00 : f32
    %add3A_70 = vector.broadcast %add3A_69 : f32 to vector<200x32x128xf32>
    %add3A_71 = arith.addf %add3A_70, %exp23A : vector<200x32x128xf32>
    %log3A = math.log %add3A_71 : vector<200x32x128xf32>
    %log3A_72 = arith.constant 2.000000e+00 : f32
    %log3A_73 = math.log %log3A_72 : f32
    %div3A_74 = vector.broadcast %log3A_73 : f32 to vector<200x32x128xf32>
    %div3A_75 = arith.divf %log3A, %div3A_74 : vector<200x32x128xf32>
    %mul3A_76 = arith.constant 0.693147182 : f32
    %mul3A_77 = vector.broadcast %mul3A_76 : f32 to vector<200x32x128xf32>
    %mul3A_78 = arith.mulf %mul3A_77, %div3A_75 : vector<200x32x128xf32>
    %add3A_79 = arith.addf %max3A_68, %mul3A_78 : vector<200x32x128xf32>
    %mul3A_80 = arith.mulf %add3A_60, %add3A_79 : vector<200x32x128xf32>
    %reduce_sum3A_81 = arith.constant dense<0.000000e+00> : vector<200x128xf32>
    %reduce_sum3A_82 = vector.multi_reduction <add>, %mul3A_80, %reduce_sum3A_81 [1] : vector<200x32x128xf32> to vector<200x128xf32>
    %swap3A = arith.constant 0 : index
    %swap3A_83 = arith.constant 0 : index
    %swap3A_84 = vector.load %arg8[%swap3A, %swap3A_83] : memref<200x128xf32, #tpu.memory_space<vmem>>, vector<200x128xf32>
    tpu.vector_store %arg8[%swap3A, %swap3A_83], %reduce_sum3A_82 {strides = array<i32>} : memref<200x128xf32, #tpu.memory_space<vmem>>, vector<200x128xf32>,
    %eq3A = arith.constant 0 : i32
    %eq3A_85 = arith.cmpi eq, %arg0, %eq3A : i32
    %convert_element_type3A_86 = arith.extui %eq3A_85 : i1 to i32
    %cond3A = arith.constant 0 : i32
    %cond3A_87 = arith.cmpi ne, %convert_element_type3A_86, %cond3A : i32
    scf.if %cond3A_87 {
      %broadcast_in_dim3A_109 = arith.constant 0.000000e+00 : f32
      %broadcast_in_dim3A_110 = vector.broadcast %broadcast_in_dim3A_109 : f32 to vector<8x128xf32>
      %swap3A_111 = arith.constant 0 : index
      %swap3A_112 = arith.constant 0 : index
      %swap3A_113 = vector.load %arg9[%swap3A_111, %swap3A_112] : memref<8x128xf32, #tpu.memory_space<vmem>>, vector<8x128xf32>
      tpu.vector_store %arg9[%swap3A_111, %swap3A_112], %broadcast_in_dim3A_110 {strides = array<i32>} : memref<8x128xf32, #tpu.memory_space<vmem>>, vector<8x128xf32>,
    } else {
    }
    %get3A_88 = arith.constant 0 : index
    %get3A_89 = arith.constant 0 : index
    %get3A_90 = vector.load %arg9[%get3A_88, %get3A_89] : memref<8x128xf32, #tpu.memory_space<vmem>>, vector<1x128xf32>
    %reduce_sum3A_91 = arith.constant dense<0.000000e+00> : vector<128xf32>
    %reduce_sum3A_92 = vector.multi_reduction <add>, %reduce_sum3A_82, %reduce_sum3A_91 [0] : vector<200x128xf32> to vector<128xf32>
    %broadcast_in_dim3A_93 = vector.shape_cast %reduce_sum3A_92 : vector<128xf32> to vector<1x128xf32>
    %add3A_94 = arith.addf %get3A_90, %broadcast_in_dim3A_93 : vector<1x128xf32>
    %swap3A_95 = arith.constant 0 : index
    %swap3A_96 = arith.constant 0 : index
    %swap3A_97 = vector.load %arg9[%swap3A_95, %swap3A_96] : memref<8x128xf32, #tpu.memory_space<vmem>>, vector<1x128xf32>
    tpu.vector_store %arg9[%swap3A_95, %swap3A_96], %add3A_94 {strides = array<i32>} : memref<8x128xf32, #tpu.memory_space<vmem>>, vector<1x128xf32>,
    %get3A_98 = arith.constant 1 : index
    %get3A_99 = arith.constant 0 : index
    %get3A_100 = vector.load %arg9[%get3A_98, %get3A_99] : memref<8x128xf32, #tpu.memory_space<vmem>>, vector<1x128xf32>
    %mul3A_101 = arith.mulf %reduce_sum3A_82, %reduce_sum3A_82 : vector<200x128xf32>
    %reduce_sum3A_102 = arith.constant dense<0.000000e+00> : vector<128xf32>
    %reduce_sum3A_103 = vector.multi_reduction <add>, %mul3A_101, %reduce_sum3A_102 [0] : vector<200x128xf32> to vector<128xf32>
    %broadcast_in_dim3A_104 = vector.shape_cast %reduce_sum3A_103 : vector<128xf32> to vector<1x128xf32>
    %add3A_105 = arith.addf %get3A_100, %broadcast_in_dim3A_104 : vector<1x128xf32>
    %swap3A_106 = arith.constant 1 : index
    %swap3A_107 = arith.constant 0 : index
    %swap3A_108 = vector.load %arg9[%swap3A_106, %swap3A_107] : memref<8x128xf32, #tpu.memory_space<vmem>>, vector<1x128xf32>
    tpu.vector_store %arg9[%swap3A_106, %swap3A_107], %add3A_105 {strides = array<i32>} : memref<8x128xf32, #tpu.memory_space<vmem>>, vector<1x128xf32>,
    return
  }
  func.func @transform_0(%arg0: i32) -> (i32, i32) {
    %c0_i32 = arith.constant 0 : i32
    %c0_i32_0 = arith.constant 0 : i32
    return %arg0, %c0_i32 : i32, i32
  }
  func.func @transform_1(%arg0: i32) -> (i32, i32) {
    %add3A = arith.constant 0 : i32
    %add3A_0 = arith.addi %add3A, %arg0 : i32
    %c0_i32 = arith.constant 0 : i32
    %c0_i32_1 = arith.constant 0 : i32
    return %add3A_0, %c0_i32 : i32, i32
  }
  func.func @transform_2(%arg0: i32) -> (i32, i32) {
    %add3A = arith.constant 0 : i32
    %add3A_0 = arith.addi %add3A, %arg0 : i32
    %c0_i32 = arith.constant 0 : i32
    %c0_i32_1 = arith.constant 0 : i32
    return %add3A_0, %c0_i32 : i32, i32
  }
  func.func @transform_3(%arg0: i32) -> (i32, i32) {
    %c0_i32 = arith.constant 0 : i32
    %c0_i32_0 = arith.constant 0 : i32
    %c0_i32_1 = arith.constant 0 : i32
    return %c0_i32, %c0_i32_0 : i32, i32
  }
  func.func @transform_4(%arg0: i32) -> (i32, i32) {
    %c0_i32 = arith.constant 0 : i32
    %c0_i32_0 = arith.constant 0 : i32
    %c0_i32_1 = arith.constant 0 : i32
    return %c0_i32, %c0_i32_0 : i32, i32
  }
  func.func @transform_5(%arg0: i32) -> (i32, i32) {
    %c0_i32 = arith.constant 0 : i32
    %c0_i32_0 = arith.constant 0 : i32
    %c0_i32_1 = arith.constant 0 : i32
    return %c0_i32, %c0_i32_0 : i32, i32
  }
  func.func @transform_6(%arg0: i32) -> (i32, i32) {
    %c0_i32 = arith.constant 0 : i32
    %c0_i32_0 = arith.constant 0 : i32
    %c0_i32_1 = arith.constant 0 : i32
    return %c0_i32, %c0_i32_0 : i32, i32
  }
  func.func @transform_7(%arg0: i32) -> (i32, i32) {
    %c0_i32 = arith.constant 0 : i32
    %c0_i32_0 = arith.constant 0 : i32
    return %arg0, %c0_i32 : i32, i32
  }
  func.func @transform_8(%arg0: i32) -> (i32, i32) {
    %c0_i32 = arith.constant 0 : i32
    %c0_i32_0 = arith.constant 0 : i32
    %c0_i32_1 = arith.constant 0 : i32
    return %c0_i32, %c0_i32_0 : i32, i32
  }
}

module attributes {stable_mosaic.version = 14 : i64} {
  func.func @body(%arg0: i32, %arg1: memref<1000x128xf32, #tpu.memory_space<vmem>>, %arg2: memref<1000x128xf32, #tpu.memory_space<vmem>>, %arg3: memref<8x128xf32, #tpu.memory_space<vmem>>, %arg4: memref<1x128xf32, #tpu.memory_space<vmem>>, %arg5: memref<1x128xf32, #tpu.memory_space<vmem>>, %arg6: memref<1000x128xf32, #tpu.memory_space<vmem>>) attributes {dimension_semantics = [#tpu.dimension_semantics<arbitrary>], iteration_bounds = array<i64: 10>, scalar_prefetch = 0 : i64, scratch_operands = 0 : i64, tpu.core_type = #tpu.core_type<tc>, window_params = [{transform_indices = @transform_0, window_bounds = array<i64: 1000, 128>}, {transform_indices = @transform_1, window_bounds = array<i64: 1000, 128>}, {pipeline_mode = #tpu.pipeline_mode<synchronous>, transform_indices = @transform_2, window_bounds = array<i64: 8, 128>}, {pipeline_mode = #tpu.pipeline_mode<synchronous>, transform_indices = @transform_3, window_bounds = array<i64: 1, 128>}, {pipeline_mode = #tpu.pipeline_mode<synchronous>, transform_indices = @transform_4, window_bounds = array<i64: 1, 128>}, {transform_indices = @transform_5, window_bounds = array<i64: 1000, 128>}]} {
    %get3A = arith.constant 0 : index
    %get3A_0 = arith.constant 0 : index
    %get3A_1 = vector.load %arg3[%get3A, %get3A_0] : memref<8x128xf32, #tpu.memory_space<vmem>>, vector<8x128xf32>
    %reshape3A = vector.shape_cast %get3A_1 : vector<8x128xf32> to vector<1x8x128xf32>
    %reduce_sum3A = arith.constant dense<0.000000e+00> : vector<8x128xf32>
    %reduce_sum3A_2 = vector.multi_reduction <add>, %reshape3A, %reduce_sum3A [0] : vector<1x8x128xf32> to vector<8x128xf32>
    %slice3A = vector.extract_strided_slice %reduce_sum3A_2 {offsets = [0, 0], sizes = [1, 128], strides = [1, 1]} : vector<8x128xf32> to vector<1x128xf32>
    %div3A = arith.constant 1.000000e+04 : f32
    %div3A_3 = vector.broadcast %div3A : f32 to vector<1x128xf32>
    %div3A_4 = arith.divf %slice3A, %div3A_3 : vector<1x128xf32>
    %slice3A_5 = vector.extract_strided_slice %reduce_sum3A_2 {offsets = [1, 0], sizes = [1, 128], strides = [1, 1]} : vector<8x128xf32> to vector<1x128xf32>
    %div3A_6 = arith.constant 1.000000e+04 : f32
    %div3A_7 = vector.broadcast %div3A_6 : f32 to vector<1x128xf32>
    %div3A_8 = arith.divf %slice3A_5, %div3A_7 : vector<1x128xf32>
    %mul3A = arith.mulf %div3A_4, %div3A_4 : vector<1x128xf32>
    %sub3A = arith.subf %div3A_8, %mul3A : vector<1x128xf32>
    %get3A_9 = arith.constant 0 : index
    %get3A_10 = arith.constant 0 : index
    %get3A_11 = vector.load %arg4[%get3A_9, %get3A_10] : memref<1x128xf32, #tpu.memory_space<vmem>>, vector<1x128xf32>
    %add3A = arith.constant 9.99999974E-6 : f32
    %add3A_12 = vector.broadcast %add3A : f32 to vector<1x128xf32>
    %add3A_13 = arith.addf %sub3A, %add3A_12 : vector<1x128xf32>
    %rsqrt3A = math.rsqrt %add3A_13 : vector<1x128xf32>
    %mul3A_14 = arith.mulf %get3A_11, %rsqrt3A : vector<1x128xf32>
    %get3A_15 = arith.constant 0 : index
    %get3A_16 = arith.constant 0 : index
    %get3A_17 = vector.load %arg5[%get3A_15, %get3A_16] : memref<1x128xf32, #tpu.memory_space<vmem>>, vector<1x128xf32>
    %mul3A_18 = arith.mulf %div3A_4, %mul3A_14 : vector<1x128xf32>
    %sub3A_19 = arith.subf %get3A_17, %mul3A_18 : vector<1x128xf32>
    %get3A_20 = arith.constant 0 : index
    %get3A_21 = arith.constant 0 : index
    %get3A_22 = vector.load %arg1[%get3A_20, %get3A_21] : memref<1000x128xf32, #tpu.memory_space<vmem>>, vector<1000x128xf32>
    %get3A_23 = arith.constant 0 : index
    %get3A_24 = arith.constant 0 : index
    %get3A_25 = vector.load %arg2[%get3A_23, %get3A_24] : memref<1000x128xf32, #tpu.memory_space<vmem>>, vector<1000x128xf32>
    %mul3A_26 = vector.broadcast %mul3A_14 : vector<1x128xf32> to vector<1000x128xf32>
    %mul3A_27 = arith.mulf %get3A_25, %mul3A_26 : vector<1000x128xf32>
    %add3A_28 = arith.addf %get3A_22, %mul3A_27 : vector<1000x128xf32>
    %add3A_29 = vector.broadcast %sub3A_19 : vector<1x128xf32> to vector<1000x128xf32>
    %add3A_30 = arith.addf %add3A_28, %add3A_29 : vector<1000x128xf32>
    %abs3A = math.absf %add3A_30 : vector<1000x128xf32>
    %neg3A = arith.constant 0.000000e+00 : f32
    %neg3A_31 = vector.broadcast %neg3A : f32 to vector<1000x128xf32>
    %neg3A_32 = arith.subf %neg3A_31, %abs3A : vector<1000x128xf32>
    %mul3A_33 = arith.constant 1.44269502 : f32
    %mul3A_34 = vector.broadcast %mul3A_33 : f32 to vector<1000x128xf32>
    %mul3A_35 = arith.mulf %neg3A_32, %mul3A_34 : vector<1000x128xf32>
    %exp23A = math.exp2 %mul3A_35 : vector<1000x128xf32>
    %max3A = arith.constant 0.000000e+00 : f32
    %max3A_36 = vector.broadcast %max3A : f32 to vector<1000x128xf32>
    %max3A_37 = arith.maximumf %add3A_30, %max3A_36 : vector<1000x128xf32>
    %add3A_38 = arith.constant 1.000000e+00 : f32
    %add3A_39 = vector.broadcast %add3A_38 : f32 to vector<1000x128xf32>
    %add3A_40 = arith.addf %add3A_39, %exp23A : vector<1000x128xf32>
    %log3A = math.log %add3A_40 : vector<1000x128xf32>
    %log3A_41 = arith.constant 2.000000e+00 : f32
    %log3A_42 = math.log %log3A_41 : f32
    %div3A_43 = vector.broadcast %log3A_42 : f32 to vector<1000x128xf32>
    %div3A_44 = arith.divf %log3A, %div3A_43 : vector<1000x128xf32>
    %mul3A_45 = arith.constant 0.693147182 : f32
    %mul3A_46 = vector.broadcast %mul3A_45 : f32 to vector<1000x128xf32>
    %mul3A_47 = arith.mulf %mul3A_46, %div3A_44 : vector<1000x128xf32>
    %add3A_48 = arith.addf %max3A_37, %mul3A_47 : vector<1000x128xf32>
    %swap3A = arith.constant 0 : index
    %swap3A_49 = arith.constant 0 : index
    %swap3A_50 = vector.load %arg6[%swap3A, %swap3A_49] : memref<1000x128xf32, #tpu.memory_space<vmem>>, vector<1000x128xf32>
    tpu.vector_store %arg6[%swap3A, %swap3A_49], %add3A_48 {strides = array<i32>} : memref<1000x128xf32, #tpu.memory_space<vmem>>, vector<1000x128xf32>,
    return
  }
  func.func @transform_0(%arg0: i32) -> (i32, i32) {
    %c0_i32 = arith.constant 0 : i32
    %c0_i32_0 = arith.constant 0 : i32
    return %arg0, %c0_i32 : i32, i32
  }
  func.func @transform_1(%arg0: i32) -> (i32, i32) {
    %c0_i32 = arith.constant 0 : i32
    %c0_i32_0 = arith.constant 0 : i32
    return %arg0, %c0_i32 : i32, i32
  }
  func.func @transform_2(%arg0: i32) -> (i32, i32) {
    %c0_i32 = arith.constant 0 : i32
    %c0_i32_0 = arith.constant 0 : i32
    %c0_i32_1 = arith.constant 0 : i32
    return %c0_i32, %c0_i32_0 : i32, i32
  }
  func.func @transform_3(%arg0: i32) -> (i32, i32) {
    %c0_i32 = arith.constant 0 : i32
    %c0_i32_0 = arith.constant 0 : i32
    %c0_i32_1 = arith.constant 0 : i32
    return %c0_i32, %c0_i32_0 : i32, i32
  }
  func.func @transform_4(%arg0: i32) -> (i32, i32) {
    %c0_i32 = arith.constant 0 : i32
    %c0_i32_0 = arith.constant 0 : i32
    %c0_i32_1 = arith.constant 0 : i32
    return %c0_i32, %c0_i32_0 : i32, i32
  }
  func.func @transform_5(%arg0: i32) -> (i32, i32) {
    %c0_i32 = arith.constant 0 : i32
    %c0_i32_0 = arith.constant 0 : i32
    return %arg0, %c0_i32 : i32, i32
  }
}

</mosaic_0001>

<sc_bundles>
// kernel: kernel.7.cloned.1.call-start
scs
__scs_entry_jumppad:
0x0: {  	(pc) =	sbr.rel $0x88, $3  }
0x1: {  	(tag) =	ssettag $0x0;
	lr =	simm.s32 $0x1  }
0x2: {  	[smem:$0x3F98] =	sst lr;
	_ =	strace $0xD0000000  }
0x3: {  	_ = 	snop  }
0x4: {  	_ = 	snop  }
0x5: {  	_ = 	snop  }
0x6: {  	_ = 	snop  }
0x7: {  	_ = 	snop  }
__scs_overlays_trampoline_lowered:
0x8: {  	[smem:$0x3FA7] =	sst s0  }
0x9: {  	[smem:$0x3FA8] =	sst s1  }
0xa: {  	[smem:$0x3FA9] =	sst s2  }
0xb: {  	[smem:$0x3FAA] =	sst s3  }
0xc: {  	[smem:$0x3FAB] =	sst s4  }
0xd: {  	[smem:$0x3FAC] =	sst s5  }
0xe: {  	[smem:$0x3FAD] =	sst s6  }
0xf: {  	[smem:$0x3FAE] =	sst s7  }
0x10: {  	[smem:$0x3FAF] =	sst s8  }
0x11: {  	[smem:$0x3FB0] =	sst s9;
	s0 =	simm.s32 @!p0 $0x0  }
0x12: {  	s1 =	sld [smem:$0x3F96];
	s0 =	simm.s32 @p0 $0x1  }
0x13: {  	[smem:$0x3FB1] =	sst s0;
	s0 =	simm.s32 @!p1 $0x0  }
0x14: {  	s2 =	sld [smem:$0x3F95];
	s0 =	simm.s32 @p1 $0x1  }
0x15: {  	[smem:$0x3FB2] =	sst s0;
	s0 =	simm.s32 @!p2 $0x0  }
0x16: {  	s3 =	sld [smem:$0x3FDB];
	s0 =	simm.s32 @p2 $0x1  }
0x17: {  	s4 =	simm.s32 $0x1BF5;
	[smem:$0x3FB4] =	sst s0  }
0x18: {  	s0 =	sld [smem:$0x3F97];
	_ =	swait.ge [sflag:s4], $0x0  }
0x19: {  	s7 =	sld [smem:$0x3F98]  }
0x1a: {  	s8 =	sadd.s32 $0xFFFFE003, lr  }
0x1b: {  	s9 =	sadd.s32 $0xFFFFFEF7, lr;
	s5 =	simm.s32 $0xFFFFFFFF;
	p2 =	slt.u32 s8, $0xFFFFF086  }
0x1c: {  	p1 =	slt.u32 s9, $0xF7A;
	s5 =	simm.s32 @!p2 $0x0  }
0x1d: {  	s5 =	simm.s32 @p1 $0x1;
	p0 =	seq.s32 s7, s2  }
0x1e: {  	s7 =	smul.u32 @!p0 $0xF7A, s2;
	p2 =	seq.s32 @!p0 s5, $0x0  }
0x1f: {  	s9 =	smul.u32 $0xF7A, s1;
	s8 =	simm.s32 @!p0 $0x1BF5;
	p2 =	por !p2, p0  }
0x20: {  	[sflag:s8] =	ssyncset.s32 @!p0 $0xFFFFF086;
	s6 =	sadd.s32 @!p0 s3, s7;
	s7 =	simm.s32 @!p0 $0x108  }
0x21: {  	s3 =	sadd.s32 s3, s9;
	s6 =	sadd.s32 @!p0 $0x88, s6;
	s7 =	simm.s32 @p2 $0x1082  }
0x22: {  	[simem:s7], [sflag:s8] =	dma.local @!p0 [hbm:s6], $0xF7A  }
0x23: {  	s9 =	sor.u32 $0xD0000000, s2;
	s6 =	simm.s32 $0x108;
	_ =	swait.ge @!p0 [sflag:s8], $0x0  }
0x24: {  	s3 =	sadd.s32 $0x88, s3;
	s6 =	simm.s32 @!p1 $0x1082;
	[sflag:s4] =	ssyncset.s32 $0xFFFFF086  }
0x25: {  	[simem:s6], [sflag:s4] =	dma.local [hbm:s3], $0xF7A  }
0x26: {  	[smem:$0x3F98] =	sst s1;
	(tag) =	ssettag s2;
	_ =	strace s9  }
0x27: {  	s1 =	sld [smem:$0x3FA8]  }
0x28: {  	s2 =	sld [smem:$0x3FA9]  }
0x29: {  	s4 =	sld [smem:$0x3FAB]  }
0x2a: {  	p0 =	seq.s32 s5, $0x0;
	s5 =	sld [smem:$0x3FAC]  }
0x2b: {  	s6 =	sld [smem:$0x3FAD]  }
0x2c: {  	s7 =	sld [smem:$0x3FAE]  }
0x2d: {  	s3 =	simm.s32 $0x108;
	s8 =	sld [smem:$0x3FAF]  }
0x2e: {  	s3 =	simm.s32 @!p0 $0x1082;
	s9 =	sld [smem:$0x3FB0]  }
0x2f: {  	lr =	sadd.s32 s0, s3;
	s0 =	sld [smem:$0x3FA7]  }
0x30: {  	s3 =	sld [smem:$0x3FAA]  }
0x31: {  	[smem:$0x3FB3] =	sst s10  }
0x32: {  	s10 =	sld [smem:$0x3FB1];
	_ =	sdelay $0x3  }
0x33: {  	p0 =	seq.s32 s10, $0x1;
	s10 =	sld [smem:$0x3FB3];
	_ =	sdelay $0x3  }
0x34: {  	[smem:$0x3FB3] =	sst s10  }
0x35: {  	s10 =	sld [smem:$0x3FB2];
	_ =	sdelay $0x3  }
0x36: {  	p1 =	seq.s32 s10, $0x1;
	s10 =	sld [smem:$0x3FB3];
	_ =	sdelay $0x3  }
0x37: {  	[smem:$0x3FB3] =	sst s10  }
0x38: {  	s10 =	sld [smem:$0x3FB4]  }
0x39: {  	_ = 	snop;
	(pc) =	sbr.ind lr, $3  }
0x3a: {  	_ = 	snop  }
0x3b: {  	_ = 	snop  }
0x3c: {  	p2 =	seq.s32 s10, $0x1;
	s10 =	sld [smem:$0x3FB3]  }
0x3d: {  	_ =	shalt  }
0x3e: {  	_ =	shalt  }
0x3f: {  	_ =	shalt  }
0x40: {  	_ =	shalt  }
0x41: {  	_ =	shalt  }
0x42: {  	_ =	shalt  }
0x43: {  	_ =	shalt  }
0x44: {  	_ =	shalt  }
0x45: {  	_ =	shalt  }
0x46: {  	_ =	shalt  }
0x47: {  	_ =	shalt  }
0x48: {  	_ =	shalt  }
0x49: {  	_ =	shalt  }
0x4a: {  	_ =	shalt  }
0x4b: {  	_ =	shalt  }
0x4c: {  	_ =	shalt  }
0x4d: {  	_ =	shalt  }
0x4e: {  	_ =	shalt  }
0x4f: {  	_ =	shalt  }
0x50: {  	_ =	shalt  }
0x51: {  	_ =	shalt  }
0x52: {  	_ =	shalt  }
0x53: {  	_ =	shalt  }
0x54: {  	_ =	shalt  }
0x55: {  	_ =	shalt  }
0x56: {  	_ =	shalt  }
0x57: {  	_ =	shalt  }
0x58: {  	_ =	shalt  }
0x59: {  	_ =	shalt  }
0x5a: {  	_ =	shalt  }
0x5b: {  	_ =	shalt  }
0x5c: {  	_ =	shalt  }
0x5d: {  	_ =	shalt  }
0x5e: {  	_ =	shalt  }
0x5f: {  	_ =	shalt  }
0x60: {  	_ =	shalt  }
0x61: {  	_ =	shalt  }
0x62: {  	_ =	shalt  }
0x63: {  	_ =	shalt  }
0x64: {  	_ =	shalt  }
0x65: {  	_ =	shalt  }
0x66: {  	_ =	shalt  }
0x67: {  	_ =	shalt  }
0x68: {  	_ =	shalt  }
0x69: {  	_ =	shalt  }
0x6a: {  	_ =	shalt  }
0x6b: {  	_ =	shalt  }
0x6c: {  	_ =	shalt  }
0x6d: {  	_ =	shalt  }
0x6e: {  	_ =	shalt  }
0x6f: {  	_ =	shalt  }
0x70: {  	_ =	shalt  }
0x71: {  	_ =	shalt  }
0x72: {  	_ =	shalt  }
0x73: {  	_ =	shalt  }
0x74: {  	_ =	shalt  }
0x75: {  	_ =	shalt  }
0x76: {  	_ =	shalt  }
0x77: {  	_ =	shalt  }
0x78: {  	_ =	shalt  }
0x79: {  	_ =	shalt  }
0x7a: {  	_ =	shalt  }
0x7b: {  	_ =	shalt  }
0x7c: {  	_ =	shalt  }
0x7d: {  	_ =	shalt  }
0x7e: {  	_ =	shalt  }
0x7f: {  	_ =	shalt  }
0x80: {  	_ =	shalt  }
0x81: {  	_ =	shalt  }
0x82: {  	_ =	shalt  }
0x83: {  	_ =	shalt  }
0x84: {  	_ =	shalt  }
0x85: {  	_ =	shalt  }
0x86: {  	_ =	shalt  }
0x87: {  	_ =	shalt  }
.Lfunc_end0:
.L_simem_size_0:
called_computation_lowered:
.L_overlay_start_0:
0x88: {  	s2 =	sld [smem:$0x3FD9]  }
0x89: {  	s3 =	sld [smem:$0x3FFE];
	_ =	sdelay $0x1  }
0x8a: {  	s1 =	srdreg.scid  }
0x8b: {  	s0 =	sand.u32 $0x1, s1  }
0x8c: {  	s17 =	sshll.u32 s0, $0xA;
	s2 =	sadd.s32 s3, s2  }
0x8d: {  	s2 =	sadd.s32 s2, s17  }
0x8e: {  	[smem:$0x3FBF] =	sst s2  }
0x8f: {  	_ = 	snop  }
0x90: {  	s2 =	sld [smem:$0x3FC9]  }
0x91: {  	s18 =	sld [smem:$0x3FD0];
	(tm) =	ssettm $0x1  }
0x92: {  	s4 =	sld [smem:$0x3FFB];
	_ =	sdelay $0x3  }
0x93: {  	_ =	strace s4  }
0x94: {  	s4 =	sld [smem:$0x3FFC];
	_ =	sdelay $0x3  }
0x95: {  	_ =	strace s4  }
0x96: {  	s4 =	sld [smem:$0x3FFD];
	_ =	sdelay $0x3  }
0x97: {  	_ =	strace s4  }
0x98: {  	_ =	strace $0x8FFFFFFF  }
0x99: {  	s19 =	sld [smem:$0x3FDB];
	_ =	sdelay $0x1  }
0x9a: {  	s5 =	simm.s32 $_scs_section_size  }
0x9b: {  	s6 =	simm.s32 $_size__tile_overlayer_lowered;
	s7 =	simm.s32 $_tile_overlayer_lowered  }
0x9c: {  	s22 =	simm.s32 $0x1BFF;
	s21 =	sshll.u32 s7, $0x1;
	s4 =	sadd.s32 s5, s19  }
0x9d: {  	s8 =	simm.s32 $0x0;
	s20 =	sshll.u32 s6, $0x1;
	s6 =	sadd.s32 s21, s4  }
0x9e: {  	[timem:s8], [sflag:s22] =	dma.local [hbm:s6], s20  }
0x9f: {  	_ =	swait.ge [sflag:s22], s20  }
0xa0: {  	s5 =	ssub.s32 $0x0, s20;
	[sflag:s22] =	ssyncset.done $0x0  }
0xa1: {  	[sflag:s22] =	ssyncadd.s32 s5;
	_ =	sdelay $0x1  }
0xa2: {  	s23 =	simm.s32 $0x1B8B  }
0xa3: {  	_ =	swait.ge [sflag:s23], $0x1  }
0xa4: {  	[sflag:s23] =	ssyncset.done $0x0  }
0xa5: {  	s25 =	simm.s32 $0x1B8E;
	s24 =	sld [smem:$0x3FFE];
	[sflag:s23] =	ssyncadd.s32 $0xFFFFFFFF  }
0xa6: {  	s26 =	simm.s32 $execute0_lowered;
	[smem:$0x3FD2] =	sst s25  }
0xa7: {  	s6 =	sshll.u32 s26, $0x1;
	_ =	strace $0x80000046;
	[dreg:$0x1] =	wrdreg $0xFFFFFFFF  }
0xa8: {  	s28 =	simm.s32 $_size_execute0_lowered;
	s4 =	sadd.s32 s4, s6;
	[dreg:$0x0] =	wrdreg $0x0  }
0xa9: {  	s6 =	sshll.u32 s28, $0x1;
	[dreg:$0x2] =	wrdreg s4  }
0xaa: {  	[dreg:$0x3] =	wrdreg s6  }
0xab: {  	[dreg:$0x4] =	wrdreg $0xC0  }
0xac: {  	_ =	task [dreg:s8], $0x5FFFF  }
0xad: {  	[dreg:$0x1] =	wrdreg $0xFFFFFFFF  }
0xae: {  	[dreg:$0x0] =	wrdreg $0x60  }
0xaf: {  	[dreg:$0x2] =	wrdreg s2  }
0xb0: {  	[dreg:$0x3] =	wrdreg s18  }
0xb1: {  	[dreg:$0x4] =	wrdreg s24  }
0xb2: {  	[dreg:$0x5] =	wrdreg $0x0  }
0xb3: {  	[dreg:$0x6] =	wrdreg $0x9  }
0xb4: {  	_ =	task.clear_ibuf [dreg:s8], $0x7FFFF;
	_ =	strace $0x90000046  }
0xb5: {  	s29 =	simm.s32 $0x9;
	_ =	strace $0x8000004F  }
0xb6: {  	_ =	swait.ge [sflag:s29], $0x1  }
0xb7: {  	[sflag:s29] =	ssyncadd.s32 $0xFFFFFFFF  }
0xb8: {  	_ =	strace $0x9000004F  }
0xb9: {  	_ =	sfence  }
0xba: {  	s30 =	sld [smem:$0x0];
	_ =	sdelay $0x2  }
0xbb: {  	s31 =	sshll.u32 s1, $0xD;
	s1 =	sshrl.u32 s1, $0x2  }
0xbc: {  	s3 =	sand.u32 $0x4000, s31;
	s1 =	sadd.s32 s1, s30  }
0xbd: {  	s0 =	sor.u32 s3, s0;
	s1 =	sshll.u32 s1, $0x11  }
0xbe: {  	s0 =	sor.u32 s1, s0  }
0xbf: {  	s0 =	sadd.s32 $0x8F2B, s0  }
0xc0: {  	[sflag:s0] =	ssyncadd.remote.s32 $0x1  }
0xc1: {  	_ =	sfence.sel $0xFFFF  }
0xc2: {  	[dreg:$0x0] =	wrdreg $0xFFFFFFFF;
	(pc) =	sbr.abs _section_cstart, $3  }
0xc3: {  	[dreg:$0x1] =	wrdreg $0xFFFFFFFF  }
0xc4: {  	_ =	task.clear_ibuf [dreg:s8], $0x2FFFF;
	_ =	strace $0x9FFFFFFF  }
0xc5: {  	(tm) =	ssettm $0x7FFFFFFF  }
tec
execute0_lowered:
.L_overlay_start_1:
0x0: {  	(tag) =	ssettag $0x1  }
0x1: {  	s2 =	rddreg [dreg:$0x1]  }
0x2: {  	s5 =	rddreg [dreg:$0x2]  }
0x3: {  	s3 =	rddreg [dreg:$0x3]  }
0x4: {  	s6 =	srdreg.scid;
	s4 =	simm.s32 $0x0;
	s7 =	stileid.u32  }
0x5: {  	s11 =	simm.s32 $0x80;
	s12 =	simm.s32 $0x3;
	s13 =	simm.s32 $0x0  }
0x6: {  	s6 =	sand.u32 $0x1, s6;
	[smem:$0x7FF] =	sst s4;
	s5 =	sadd.s32 $0x1600, s5  }
0x7: {  	p0 =	sne.s32 s7, $0x0;
	s8 =	sshll.u32 s6, $0x4;
	_ =	strace $0x80000047  }
0x8: {  	s6 =	ssub.s32 $0x2, s6;
	[dreg:$0x6] =	wrdreg s5;
	s8 =	sor.u32 s7, s8  }
0x9: {  	[dreg:$0x5] =	wrdreg s11;
	s9 =	sshrl.u32 s6, $0x1;
	s10 =	smul.u32 $0x4F0, s8  }
0xa: {  	s11 =	simm.s32 $0x5;
	s9 =	ssub.s32 s6, s9;
	s6 =	smul.u32 $0x4F, s8  }
0xb: {  	s8 =	sshrl.u32 @!p0 s3, $0x3;
	s7 =	smax.u32 s9, $0x1;
	s5 =	sadd.s32 s2, s10  }
.LBB2_1:
0xc: {  	s14 =	simm.s32 @!p0 $0x1C01  }
0xd: {  	s0 =	rddreg [dreg:$0x0];
	s22 =	simm.s32 $0x13880;
	s15 =	simm.s32 $0x1  }
0xe: {  	[spmem:s8], [sflag:s14] =	dma.local @!p0 [hbm:s0], $0x27100  }
0xf: {  	p1 =	por $0x0, $0x0;
	p2 =	por $0x1, $0x1;
	s14 =	simm.s32 @!p0 $0x1  }
0x10: {  	s24 =	sand.u32 $0x1, s4;
	s15 =	simm.s32 @p1 $0x0;
	_ =	swait.ge @!p0 [sflag:s14], $0x27100  }
0x11: {  	s25 =	simm.s32 $0x0;
	p1 =	sne.s32 s15, $0x0;
	[sflag:s14] =	ssyncset.done @!p0 $0x0  }
0x12: {  	s19 =	sadd.s32 $0x0, s6;
	p2 =	por !p2, !p1;
	[sflag:s14] =	ssyncadd.s32 @!p0 $0xFFFD8F00  }
0x13: {  	s0 =	simm.s32 $0x1;
	p3 =	por !p2, !p2;
	[bflag:$0x0] =	sbarrier.arrive $0xFFFF  }
0x14: {  	s14 =	sadd.s32 @p3 s6, s15;
	s16 =	sand.u32 @p3 $0x1, s0;
	s18 =	simm.s32 @p3 $0x0  }
0x15: {  	_ =	strace $0x80000048;
	s14 =	sshll.u32 @p3 s14, $0x4;
	s17 =	sshll.u32 @p3 s16, $0x7  }
0x16: {  	[tilespmem:s22], [sflag:$0x1] =	stream.linear.gather [hbm4b:s5+s4], $0x80, $0x200038;
	[tilespmem:$0x1B980] =	vst v63  }
0x17: {  	s16 =	sadd.s32 @p3 $0x1, s16;
	s14 =	sand.u32 @p3 $0x1FFFFFF0, s14;
	_ =	strace $0x90000048  }
0x18: {  	s17 =	sadd.s32 @p3 $0x13880, s17;
	s14 =	sadd.s32 @p3 s2, s14;
	_ =	strace @p3 $0x80000049  }
0x19: {  	[tilespmem:s17], [sflag:s16] =	stream.linear.gather @p3 [hbm4b:s14+s18], $0x80, $0x200038;
	[tilespmem:$0x1B980] =	vst v63  }
0x1a: {  	p4 =	por $0x0, $0x0;
	p6 =	por $0x0, $0x0;
	_ =	strace @p3 $0x90000049  }
0x1b: {  	s23 =	sadd.s32 $0x1, s24;
	s21 =	sshll.u32 s24, $0xE;
	_ =	strace $0x8000004A  }
0x1c: {  	s26 =	sand.u32 $0x80, s25;
	s25 =	sor.u32 $0x13980, s21;
	_ =	swait.ge [sflag:s23], $0x80  }
0x1d: {  	s21 =	simm.s32 $0x0;
	p2 =	por $0x1, $0x1;
	[sflag:s23] =	ssyncset.done $0x0  }
0x1e: {  	s14 =	simm.s32 $0x4E;
	s17 =	simm.s32 $0x4D;
	[sflag:s23] =	ssyncadd.s32 $0xFFFFFF80  }
0x1f: {  	s18 =	sand.u32 @!p2 $0x1, s4;
	p2 =	por p2, p2;
	_ =	strace $0x9000004A  }
0x20: {  	s16 =	sadd.s32 $0x13880, s26;
	s26 =	simm.s32 $0x1;
	_ =	strace $0x8000004B  }
0x21: {  	s22 =	sadd.s32 @!p2 $0x3, s18;
	s18 =	simm.s32 $0x1;
	s20 =	rddreg [dreg:$0x5]  }
0x22: {  	[tilespmem:s25], [sflag:$0x5] =	stream.indirect.gather [spmem:s3], $0x80, s16, s20, $0x2000b8;
	[tilespmem:$0x1B980] =	vst v63  }
0x23: {  	s18 =	simm.s32 @!p4 $0x0;
	s20 =	sadd.s32 $0x1, s15;
	s16 =	simm.s32 $0x1  }
0x24: {  	_ =	swait.ge [sflag:s11], $0x4000;
	p5 =	seq.s32 s20, $0x4F;
	s16 =	simm.s32 @!p3 $0x0  }
0x25: {  	[sflag:s11] =	ssyncset.done $0x0;
	s20 =	simm.s32 @p5 $0x0;
	p5 =	por p6, p1  }
0x26: {  	p6 =	por $0x1, $0x1;
	s23 =	sadd.s32 $0x1, s16;
	s16 =	simm.s32 $0x0  }
0x27: {  	[sflag:s11] =	ssyncadd.s32 $0xFFFFC000;
	p1 =	sne.s32 s15, s20;
	s28 =	sshll.u32 @p5 s19, $0xB  }
0x28: {  	s26 =	simm.s32 @!p5 $0x0;
	p3 =	por !p6, !p1;
	_ =	strace $0x9000004B  }
0x29: {  	s19 =	simm.s32 $0x0;
	p3 =	por !p3, !p3;
	_ =	strace @p5 $0x8000004C  }
0x2a: {  	s29 =	sand.u32 @p3 $0x1, s23;
	s31 =	sadd.s32 @p3 s6, s20;
	s30 =	rddreg [dreg:$0x6]  }
.LBB2_2:
0x2b: {  	s31 =	sshll.u32 @p3 s31, $0x4;
	s0 =	sand.u32 @p5 $0x1FFFF800, s28;
	s1 =	simm.s32 @p5 $0x0  }
0x2c: {  	s28 =	smov.u32 s14;
	s14 =	smov.u32 s17;
	s9 =	smov.u32 s15  }
0x2d: {  	s15 =	sshll.u32 @p3 s29, $0x7;
	s24 =	sadd.s32 @p5 $0x3, s24;
	s19 =	sadd.s32 s26, s19  }
0x2e: {  	s21 =	sadd.s32 s26, s21;
	s17 =	sadd.s32 $0xFFFFFFFF, s17;
	s0 =	sadd.s32 @p5 s30, s0  }
0x2f: {  	[hbm4b:s0+s1] =	stream.linear.scatter @p5 [tilespmem:s25], [sflag:s24], $0x4000, $0x200038;
	[tilespmem:$0x1B980] =	vst v63  }
0x30: {  	s16 =	sadd.s32 s18, s16;
	s31 =	sand.u32 @p3 $0x1FFFFFF0, s31;
	_ =	strace @p5 $0x9000004C  }
0x31: {  	s10 =	sadd.s32 @p3 $0x13880, s15;
	s26 =	sand.u32 $0x1, s21;
	_ =	strace @!p2 $0x8000004D  }
0x32: {  	p4 =	sne.s32 s17, $0x0;
	s15 =	smov.u32 s20;
	_ =	swait.ge @!p2 [sflag:s22], $0x4000  }
0x33: {  	s20 =	sadd.s32 $0x1, s20;
	s31 =	sadd.s32 @p3 s2, s31;
	[sflag:s22] =	ssyncset.done @!p2 $0x0  }
0x34: {  	s25 =	sshll.u32 s21, $0x7;
	s24 =	simm.s32 @p3 $0x0;
	[sflag:s22] =	ssyncadd.s32 @!p2 $0xFFFFC000  }
0x35: {  	s0 =	sadd.s32 $0x1, s26;
	p6 =	seq.s32 s20, $0x4F;
	_ =	strace @!p2 $0x9000004D  }
0x36: {  	s1 =	sand.u32 $0x80, s25;
	s22 =	sadd.s32 @p3 $0x1, s29;
	_ =	strace @p3 $0x80000049  }
0x37: {  	[tilespmem:s10], [sflag:s22] =	stream.linear.gather @p3 [hbm4b:s31+s24], $0x80, $0x200038;
	[tilespmem:$0x1B980] =	vst v63  }
0x38: {  	p5 =	seq.s32 s28, $0x4F;
	s20 =	simm.s32 @p6 $0x0;
	_ =	strace @p3 $0x90000049  }
0x39: {  	p6 =	sne.s32 s14, $0x1;
	s18 =	sand.u32 @!p5 $0x1, s16;
	_ =	strace $0x8000004A  }
0x3a: {  	s1 =	sadd.s32 $0x13880, s1;
	p2 =	por p5, p5;
	_ =	swait.ge [sflag:s0], $0x80  }
0x3b: {  	p5 =	sne.s32 s28, $0x4F;
	s24 =	sand.u32 $0x1, s19;
	[sflag:s0] =	ssyncset.done $0x0  }
0x3c: {  	s22 =	sadd.s32 @!p2 $0x3, s18;
	s18 =	simm.s32 $0x1;
	[sflag:s0] =	ssyncadd.s32 $0xFFFFFF80  }
0x3d: {  	s26 =	sshll.u32 s24, $0xE;
	s18 =	simm.s32 @!p5 $0x0;
	_ =	strace $0x9000004A  }
0x3e: {  	p5 =	seq.s32 s28, $0x1;
	s25 =	sor.u32 $0x13980, s26;
	_ =	strace $0x8000004B  }
0x3f: {  	p5 =	por p5, p1;
	s0 =	sadd.s32 s6, s9;
	s9 =	rddreg [dreg:$0x5]  }
0x40: {  	[tilespmem:s25], [sflag:$0x5] =	stream.indirect.gather [spmem:s3], $0x80, s1, s9, $0x2000b8;
	[tilespmem:$0x1B980] =	vst v63  }
0x41: {  	p1 =	sne.s32 s15, s20;
	s26 =	simm.s32 $0x1;
	_ =	swait.ge [sflag:s11], $0x4000  }
.Ltmp0:
0x42: {  	s26 =	simm.s32 @!p5 $0x0;
	[sflag:s11] =	ssyncset.done $0x0;
	(pc) =	sbr.rel @p4 .LBB2_2-.Ltmp0, $4  }
0x43: {  	s28 =	sshll.u32 @p5 s0, $0xB;
	s1 =	simm.s32 $0x1;
	[sflag:s11] =	ssyncadd.s32 $0xFFFFC000  }
0x44: {  	s1 =	simm.s32 @!p3 $0x0;
	p3 =	por !p6, !p1;
	_ =	strace $0x9000004B  }
0x45: {  	p3 =	por !p3, !p3;
	s23 =	sadd.s32 s1, s23;
	_ =	strace @p5 $0x8000004C  }
0x46: {  	s29 =	sand.u32 @p3 $0x1, s23;
	s31 =	sadd.s32 @p3 s6, s20;
	s30 =	rddreg [dreg:$0x6]  }
0x47: {  	s0 =	sand.u32 @p5 $0x1FFFF800, s28  }
0x48: {  	s1 =	simm.s32 @p5 $0x0;
	s9 =	sadd.s32 @p5 $0x3, s24;
	s0 =	sadd.s32 @p5 s30, s0  }
0x49: {  	[hbm4b:s0+s1] =	stream.linear.scatter @p5 [tilespmem:s25], [sflag:s9], $0x4000, $0x200038;
	[tilespmem:$0x1B980] =	vst v63  }
0x4a: {  	_ =	strace @p5 $0x9000004C  }
0x4b: {  	_ =	strace @!p2 $0x8000004D  }
0x4c: {  	_ =	swait.ge @!p2 [sflag:s22], $0x4000  }
0x4d: {  	s24 =	sadd.s32 s26, s21;
	s10 =	sadd.s32 @p3 $0x1, s29;
	[sflag:s22] =	ssyncset.done @!p2 $0x0  }
0x4e: {  	s17 =	simm.s32 @p3 $0x0;
	s0 =	sshll.u32 @p3 s31, $0x4;
	[sflag:s22] =	ssyncadd.s32 @!p2 $0xFFFFC000  }
0x4f: {  	s1 =	sshll.u32 @p3 s29, $0x7;
	s0 =	sand.u32 @p3 $0x1FFFFFF0, s0;
	_ =	strace @!p2 $0x9000004D  }
0x50: {  	s1 =	sadd.s32 @p3 $0x13880, s1;
	s0 =	sadd.s32 @p3 s2, s0;
	_ =	strace @p3 $0x80000049  }
0x51: {  	[tilespmem:s1], [sflag:s10] =	stream.linear.gather @p3 [hbm4b:s0+s17], $0x80, $0x200038;
	[tilespmem:$0x1B980] =	vst v63  }
0x52: {  	s25 =	sand.u32 $0x1, s24;
	_ =	strace @p3 $0x90000049  }
0x53: {  	s0 =	sadd.s32 $0x1, s25;
	_ =	strace $0x8000004A  }
0x54: {  	_ =	swait.ge [sflag:s0], $0x80  }
0x55: {  	[sflag:s0] =	ssyncset.done $0x0  }
0x56: {  	s28 =	sadd.s32 s26, s19;
	[sflag:s0] =	ssyncadd.s32 $0xFFFFFF80  }
0x57: {  	s29 =	sshll.u32 s24, $0x7;
	s0 =	sand.u32 $0x1, s28;
	_ =	strace $0x9000004A  }
0x58: {  	s1 =	sand.u32 $0x80, s29;
	s31 =	sshll.u32 s0, $0xE;
	_ =	strace $0x8000004B  }
0x59: {  	s1 =	sadd.s32 $0x13880, s1;
	s10 =	sor.u32 $0x13980, s31;
	s30 =	rddreg [dreg:$0x5]  }
0x5a: {  	[tilespmem:s10], [sflag:$0x5] =	stream.indirect.gather [spmem:s3], $0x80, s1, s30, $0x2000b8;
	[tilespmem:$0x1B980] =	vst v63  }
0x5b: {  	_ =	swait.ge [sflag:s11], $0x4000  }
0x5c: {  	[sflag:s11] =	ssyncset.done $0x0  }
0x5d: {  	p6 =	seq.s32 s14, $0x1;
	[sflag:s11] =	ssyncadd.s32 $0xFFFFC000  }
0x5e: {  	p1 =	por p6, p1;
	s1 =	sadd.s32 s6, s15;
	_ =	strace $0x9000004B  }
0x5f: {  	p2 =	seq.s32 s14, $0x4F;
	s1 =	sshll.u32 @p1 s1, $0xB;
	_ =	strace @p1 $0x8000004C  }
0x60: {  	s14 =	sadd.s32 s18, s16;
	s1 =	sand.u32 @p1 $0x1FFFF800, s1;
	s9 =	rddreg [dreg:$0x6]  }
0x61: {  	s0 =	sadd.s32 @p1 $0x3, s0;
	s15 =	simm.s32 @p1 $0x0;
	s1 =	sadd.s32 @p1 s9, s1  }
0x62: {  	[hbm4b:s1+s15] =	stream.linear.scatter @p1 [tilespmem:s10], [sflag:s0], $0x4000, $0x200038;
	[tilespmem:$0x1B980] =	vst v63  }
0x63: {  	s0 =	sand.u32 @!p2 $0x1, s14;
	p2 =	por p2, p2;
	_ =	strace @p1 $0x9000004C  }
0x64: {  	s0 =	sadd.s32 @!p2 $0x3, s0;
	_ =	strace @!p2 $0x8000004D  }
0x65: {  	_ =	swait.ge @!p2 [sflag:s0], $0x4000  }
0x66: {  	[sflag:s0] =	ssyncset.done @!p2 $0x0  }
0x67: {  	s13 =	sadd.s32 $0x1, s13;
	[sflag:s0] =	ssyncadd.s32 @!p2 $0xFFFFC000  }
0x68: {  	p1 =	sne.s32 s13, s7;
	_ =	strace @!p2 $0x9000004D  }
.Ltmp1:
0x69: {  	_ =	strace $0x8000004E;
	(pc) =	sbr.rel @p1 .LBB2_1-.Ltmp1, $4  }
0x6a: {  	_ =	swait.ge [sflag:s12], $0x4000  }
0x6b: {  	[sflag:s12] =	ssyncset.done $0x0  }
0x6c: {  	[sflag:s12] =	ssyncadd.s32 $0xFFFFC000  }
0x6d: {  	_ =	strace $0x9000004E  }
0x6e: {  	_ =	sfence.sel $0x180000  }
0x6f: {  	[bflag:$0x0] =	sbarrier.arrive $0xFFFF  }
0x70: {  	_ =	strace $0x90000047  }
0x71: {  	[bflag:$0x2] =	sbarrier.arrive $0xFFFF  }
0x72: {  	s0 =	rddreg [dreg:$0x4]  }
0x73: {  	s0 =	sadd.s32 @!p0 $0x100000, s0  }
0x74: {  	[sflag:s0] =	ssyncadd.tile.s32 @!p0 $0x1;
	_ =	shalt  }
.Lfunc_end2:
_tile_overlayer_lowered:
.L_overlay_start_2:
0x75: {  	(tag) =	ssettag $0x2  }
0x76: {  	s0 =	rddreg [dreg:$0x0];
	s2 =	stileid.u32  }
0x77: {  	s1 =	rddreg [dreg:$0x1];
	p0 =	sne.s32 s2, $0x0  }
0x78: {  	s3 =	rddreg [dreg:$0x2];
	[bflag:$0x3] =	sbarrier.arrive $0xFFFF;
	s2 =	simm.s32 @!p0 $0x1C01  }
0x79: {  	[timem:s3], [sflag:s2] =	dma.local @!p0 [hbm:s0], s1  }
0x7a: {  	s0 =	simm.s32 @!p0 $0x1  }
0x7b: {  	_ =	swait.ge @!p0 [sflag:s0], s1  }
0x7c: {  	s1 =	ssub.s32 @!p0 $0x0, s1;
	[sflag:s0] =	ssyncset.done @!p0 $0x0  }
0x7d: {  	[sflag:s0] =	ssyncadd.s32 @!p0 s1  }
0x7e: {  	[bflag:$0x3] =	sbarrier.arrive $0xFFFF  }
0x7f: {  	_ =	shalt  }

</sc_bundles>
